<compile_context>
chip_gen: v7x
topology: tpu7x:2x2x1
jax: 0.10.2.dev20260603
libtpu: 0.0.44.dev20260713+nightly
codegen_flags: <defaults>
</compile_context>

<pallas_src>
import functools

import jax
import jax.numpy as jnp
from jax import lax
from jax.experimental import pallas as pl
from jax.experimental.pallas import tpu as pltpu
from jax.experimental.pallas import tpu_sc as plsc

_N = 10000
_E = 320000
_D_IN = 128
_DIM = 16
_N_CLASSES = 40

_NC = 2
_NS = 16
_NW = _NC * _NS
_EW = _E // _NW
_CHUNK = 2000
_NCHUNK = _EW // _CHUNK
_NPAD = 10240
_ROWS = _NPAD // _NS


def _make_segsum():
    mesh = plsc.VectorSubcoreMesh(core_axis_name="c", subcore_axis_name="s")

    @functools.partial(
        pl.kernel,
        mesh=mesh,
        compiler_params=pltpu.CompilerParams(use_tc_tiling_on_sc=False),
        out_type=jax.ShapeDtypeStruct((_NC, _NPAD, _DIM), jnp.float32),
        scratch_types=[
            pltpu.VMEM((_EW,), jnp.int32),
            pltpu.VMEM((_NCHUNK, _CHUNK), jnp.int32),
            pltpu.VMEM((2, _CHUNK, _DIM), jnp.float32),
            pltpu.VMEM((_ROWS, _DIM), jnp.float32),
            pltpu.VMEM_SHARED((_NPAD, _DIM), jnp.float32),
            pltpu.VMEM_SHARED((_N, _DIM), jnp.float32),
            pltpu.SemaphoreType.DMA,
            pltpu.SemaphoreType.DMA,
            pltpu.SemaphoreType.DMA,
            pltpu.SemaphoreType.DMA,
        ],
    )
    def segsum(p_hbm, src_hbm, dst2_hbm, out_hbm,
               src_v, dst_v, rows_v, zbuf_v, acc_s, p_s,
               sem_s, sem_d, sem_a, sem_b):
        cid = lax.axis_index("c")
        sid = lax.axis_index("s")
        wid = cid * _NS + sid

        ebase = pl.multiple_of(wid * _EW, 8)
        cp_s = pltpu.async_copy(src_hbm.at[pl.ds(ebase, _EW)], src_v, sem_s)
        cp_d = pltpu.async_copy(dst2_hbm.at[pl.ds(wid * _NCHUNK, _NCHUNK)],
                                dst_v, sem_d)

        @pl.when(sid < _NS - 1)
        def _():
            pltpu.sync_copy(p_hbm.at[pl.ds(sid * 640, 640)],
                            p_s.at[pl.ds(sid * 640, 640)])

        @pl.when(sid == _NS - 1)
        def _():
            pltpu.sync_copy(p_hbm.at[pl.ds(9600, _N - 9600)],
                            p_s.at[pl.ds(9600, _N - 9600)])

        def zrow(i, carry):
            zbuf_v[i, :] = jnp.zeros((_DIM,), jnp.float32)
            return carry

        lax.fori_loop(0, _ROWS, zrow, 0)
        pltpu.sync_copy(zbuf_v, acc_s.at[pl.ds(sid * _ROWS, _ROWS)])
        cp_s.wait()
        cp_d.wait()

        plsc.subcore_barrier()
        sems = (sem_a, sem_b)
        gathers = [None, None]
        for i in range(2):
            gathers[i] = pltpu.async_copy(
                p_s.at[src_v.at[pl.ds(i * _CHUNK, _CHUNK)]],
                rows_v.at[i], sems[i])
        for i in range(_NCHUNK):
            b = i % 2
            gathers[b].wait()
            pltpu.sync_copy(rows_v.at[b], acc_s.at[dst_v.at[i]], add=True)
            nxt = i + 2
            if nxt < _NCHUNK:
                gathers[b] = pltpu.async_copy(
                    p_s.at[src_v.at[pl.ds(nxt * _CHUNK, _CHUNK)]],
                    rows_v.at[b], sems[b])
        plsc.subcore_barrier()

        pltpu.sync_copy(acc_s.at[pl.ds(sid * _ROWS, _ROWS)],
                        out_hbm.at[cid, pl.ds(sid * _ROWS, _ROWS)])

    return segsum


_SEGSUM_CACHE = []


def _segsum(p, src, dst2):
    if not _SEGSUM_CACHE:
        _SEGSUM_CACHE.append(_make_segsum())
    return _SEGSUM_CACHE[0](p, src, dst2)


def _proj_body(x_ref, w_ref, o_ref):
    o_ref[...] = jnp.dot(x_ref[...], w_ref[...],
                         preferred_element_type=jnp.float32)


def _project(x, w):
    return pl.pallas_call(
        _proj_body,
        out_shape=jax.ShapeDtypeStruct((_N, _DIM), jnp.float32),
    )(x, w)


_RP = _N // 8
_APAD = _NPAD // 8


def _bn_packed(u, m_ref, g_ref, be_ref):
    mean = jnp.dot(jnp.sum(u, axis=0, keepdims=True), m_ref[...],
                   preferred_element_type=jnp.float32) / _N
    d = u - mean
    var = jnp.dot(jnp.sum(d * d, axis=0, keepdims=True), m_ref[...],
                  preferred_element_type=jnp.float32) / _N
    return g_ref[...] * d * lax.rsqrt(var + 1e-5) + be_ref[...]


def _mid_body(p_ref, acc_ref, sc_ref, w1b_ref, b1a_ref, b1b_ref,
              g1_ref, be1_ref, w2a_ref, m_ref, q_ref):
    u = (sc_ref[0, 0] * p_ref[...] + acc_ref[0, :_RP] + acc_ref[1, :_RP]
         + b1a_ref[...])
    u = jnp.maximum(u, 0.0)
    u = jnp.dot(u, w1b_ref[...], preferred_element_type=jnp.float32)
    u = jnp.maximum(u + b1b_ref[...], 0.0)
    h = _bn_packed(u, m_ref, g1_ref, be1_ref)
    q_ref[...] = jnp.dot(h, w2a_ref[...], preferred_element_type=jnp.float32)


def _mid(p, acc, scale1, w1b_bd, b1a, b1b, g1, be1, w2a_bd, m):
    return pl.pallas_call(
        _mid_body,
        out_shape=jax.ShapeDtypeStruct((_RP, 128), jnp.float32),
    )(p, acc, scale1, w1b_bd, b1a, b1b, g1, be1, w2a_bd, m)


def _final_body(q_ref, acc_ref, sc_ref, w2b_ref, b2a_ref, b2b_ref,
                g2_ref, be2_ref, m_ref, wf_ref, bf_ref, sumk_ref, o_ref):
    u = (sc_ref[0, 0] * q_ref[...] + acc_ref[0, :_RP] + acc_ref[1, :_RP]
         + b2a_ref[...])
    u = jnp.maximum(u, 0.0)
    u = jnp.dot(u, w2b_ref[...], preferred_element_type=jnp.float32)
    u = jnp.maximum(u + b2b_ref[...], 0.0)
    h = _bn_packed(u, m_ref, g2_ref, be2_ref)
    logits = jnp.dot(h, wf_ref[...],
                     preferred_element_type=jnp.float32) + bf_ref[...]
    mrow = jnp.max(logits, axis=-1, keepdims=True)
    e = jnp.exp(logits - mrow)
    s = jnp.dot(e, sumk_ref[...], preferred_element_type=jnp.float32)
    o_ref[...] = logits - mrow - jnp.log(s)


def _final(q, acc, scale2, w2b_bd, b2a, b2b, g2, be2, m, wf_bd, bf, sumk):
    return pl.pallas_call(
        _final_body,
        out_shape=jax.ShapeDtypeStruct((_RP, 8 * _N_CLASSES), jnp.float32),
    )(q, acc, scale2, w2b_bd, b2a, b2b, g2, be2, m, wf_bd, bf, sumk)


def kernel(x, edge_index, W1a, b1a, W1b, b1b, eps1, g1, be1,
           W2a, b2a, W2b, b2b, eps2, g2, be2, Wf, bf):
    src = edge_index[0].astype(jnp.int32)
    dst2 = jnp.reshape(edge_index[1].astype(jnp.int32),
                       (_E // _CHUNK, _CHUNK))
    scale1 = jnp.reshape(1.0 + eps1, (1, 1))
    scale2 = jnp.reshape(1.0 + eps2, (1, 1))

    eye8 = jnp.eye(8, dtype=jnp.float32)
    fold = jnp.kron(jnp.ones((8, 8), jnp.float32),
                    jnp.eye(16, dtype=jnp.float32))
    w1b_bd = jnp.kron(eye8, W1b)
    w2a_bd = jnp.kron(eye8, W2a)
    w2b_bd = jnp.kron(eye8, W2b)
    wf_bd = jnp.kron(eye8, Wf)

    def t8(v):
        n = v.shape[-1]
        return jnp.reshape(jnp.tile(jnp.reshape(v, (1, n)), (8, 1)),
                           (1, 8 * n))

    p = _project(x, W1a)
    acc1 = _segsum(p, src, dst2)
    q = _mid(jnp.reshape(p, (_RP, 128)),
             jnp.reshape(acc1, (_NC, _APAD, 128)), scale1, w1b_bd,
             t8(b1a), t8(b1b), t8(g1), t8(be1), w2a_bd, fold)
    acc2 = _segsum(jnp.reshape(q, (_N, _DIM)), src, dst2)
    sumk = jnp.kron(eye8, jnp.ones((_N_CLASSES, _N_CLASSES), jnp.float32))
    out = _final(q, jnp.reshape(acc2, (_NC, _APAD, 128)), scale2, w2b_bd,
                 t8(b2a), t8(b2b), t8(g2), t8(be2), fold, wf_bd, t8(bf),
                 sumk)
    return jnp.reshape(out, (_N, _N_CLASSES))

# --- scband reference (transcript-rebuilt; emitter-appended) ---
"""Pipeline reference for scband-ginnet-15719580303915 (READ-ONLY COPY).

The authoritative reference and input builder live on the scoring server;
editing this copy changes nothing except your own understanding.
"""

import jax, jax.numpy as jnp
import numpy as np

N = 10000
E = 320000
D_IN = 128
DIM = 16
N_CLASSES = 40


def setup_inputs(seed: int = 0) -> dict:
    key = jax.random.key(seed)
    ks = jax.random.split(key, 20)
    x = jax.random.normal(ks[0], (N, D_IN), dtype=jnp.float32)
    edge_index = jax.random.randint(ks[1], (2, E), 0, N, dtype=jnp.int64)
    s1 = 1.0 / np.sqrt(D_IN)
    s2 = 1.0 / np.sqrt(DIM)
    return {
        'x': x,
        'edge_index': edge_index,
        'W1a': jax.random.uniform(ks[2], (D_IN, DIM), jnp.float32, -s1, s1),
        'b1a': jnp.zeros((DIM,), jnp.float32),
        'W1b': jax.random.uniform(ks[3], (DIM, DIM), jnp.float32, -s2, s2),
        'b1b': jnp.zeros((DIM,), jnp.float32),
        'eps1': jnp.zeros((), jnp.float32),
        'g1': jnp.ones((DIM,), jnp.float32),
        'be1': jnp.zeros((DIM,), jnp.float32),
        'W2a': jax.random.uniform(ks[4], (DIM, DIM), jnp.float32, -s2, s2),
        'b2a': jnp.zeros((DIM,), jnp.float32),
        'W2b': jax.random.uniform(ks[5], (DIM, DIM), jnp.float32, -s2, s2),
        'b2b': jnp.zeros((DIM,), jnp.float32),
        'eps2': jnp.zeros((), jnp.float32),
        'g2': jnp.ones((DIM,), jnp.float32),
        'be2': jnp.zeros((DIM,), jnp.float32),
        'Wf': jax.random.uniform(ks[6], (DIM, N_CLASSES), jnp.float32, -s2, s2),
        'bf': jnp.zeros((N_CLASSES,), jnp.float32),
    }


def _gin_conv(x, edge_index, eps, Wa, ba, Wb, bb):
    src = edge_index[0]
    dst = edge_index[1]
    # sum aggregation of neighbor messages (GIN): gather + scatter-add
    agg = jax.ops.segment_sum(jnp.take(x, src, axis=0), dst, num_segments=N)
    h = (1.0 + eps) * x + agg
    h = jnp.maximum(h @ Wa + ba, 0.0)
    h = h @ Wb + bb
    return h


def _batch_norm(x, gamma, beta, eps=1e-5):
    mean = jnp.mean(x, axis=0, keepdims=True)
    var = jnp.var(x, axis=0, keepdims=True)
    return gamma * (x - mean) / jnp.sqrt(var + eps) + beta


def reference(x, edge_index, W1a, b1a, W1b, b1b, eps1, g1, be1, W2a, b2a, W2b, b2b, eps2, g2, be2, Wf, bf):
    h = _gin_conv(x, edge_index, eps1, W1a, b1a, W1b, b1b)
    h = jnp.maximum(h, 0.0)
    h = _batch_norm(h, g1, be1)
    h = _gin_conv(h, edge_index, eps2, W2a, b2a, W2b, b2b)
    h = jnp.maximum(h, 0.0)
    h = _batch_norm(h, g2, be2)
    # dropout is identity in eval mode
    h = h @ Wf + bf
    return jax.nn.log_softmax(h, axis=-1)

if __name__ == "__main__":
    import jax
    _d = setup_inputs()
    print(jax.jit(kernel)(*tuple(_d.values())))

</pallas_src>

<mosaic_0001>
#map = affine_map<(d0, d1) -> (0, 0)>
#map1 = affine_map<(d0, d1) -> (0)>
#map2 = affine_map<(d0, d1) -> (0, 0, 0)>
module attributes {stable_mosaic.version = 14 : i64} {
  func.func @segsum(%arg0: i32, %arg1: i32, %arg2: memref<10000x16xf32, #tpu.memory_space<hbm>>, %arg3: memref<320000xi32, #tpu.memory_space<hbm>>, %arg4: memref<160x2000xi32, #tpu.memory_space<hbm>>, %arg5: memref<2x10240x16xf32, #tpu.memory_space<hbm>>, %arg6: memref<10000xi32, #tpu.memory_space<vmem>>, %arg7: memref<5x2000xi32, #tpu.memory_space<vmem>>, %arg8: memref<2x2000x16xf32, #tpu.memory_space<vmem>>, %arg9: memref<640x16xf32, #tpu.memory_space<vmem>>, %arg10: memref<10240x16xf32, #tpu.memory_space<vmem_shared>>, %arg11: memref<10000x16xf32, #tpu.memory_space<vmem_shared>>, %arg12: memref<!tpu.dma_semaphore, #tpu.memory_space<semaphore_mem>>, %arg13: memref<!tpu.dma_semaphore, #tpu.memory_space<semaphore_mem>>, %arg14: memref<!tpu.dma_semaphore, #tpu.memory_space<semaphore_mem>>, %arg15: memref<!tpu.dma_semaphore, #tpu.memory_space<semaphore_mem>>) attributes {dimension_semantics = [#tpu.dimension_semantics<core_parallel>, #tpu.dimension_semantics<subcore_parallel>], iteration_bounds = array<i64: 2, 16>, scalar_prefetch = 0 : i64, scratch_operands = 10 : i64, tpu.core_type = #tpu.core_type<sc_vector_subcore>, window_params = [{transform_indices = #map}, {transform_indices = #map1}, {transform_indices = #map}, {transform_indices = #map2}]} {
    %mul3A = arith.constant 16 : i32
    %mul3A_0 = arith.muli %arg0, %mul3A : i32
    %add3A = arith.addi %mul3A_0, %arg1 : i32
    %mul3A_1 = arith.constant 10000 : i32
    %mul3A_2 = arith.muli %add3A, %mul3A_1 : i32
    %multiple_of3A = tpu.assume_multiple %mul3A_2, 8 : i32
    %dma_start3A = tpu.memref_slice %arg3[%multiple_of3A] : memref<320000xi32, #tpu.memory_space<hbm>> -> memref<10000xi32, #tpu.memory_space<hbm>>
    %dma_start3A_3 = tpu.memref_slice %arg3[%multiple_of3A] : memref<320000xi32, #tpu.memory_space<hbm>> -> memref<10000xi32, #tpu.memory_space<hbm>>
    tpu.enqueue_dma source(%dma_start3A_3 : memref<10000xi32, #tpu.memory_space<hbm>>) target(%arg6 : memref<10000xi32, #tpu.memory_space<vmem>>) target_semaphore(%arg12 : memref<!tpu.dma_semaphore, #tpu.memory_space<semaphore_mem>>)
    %mul3A_4 = arith.constant 5 : i32
    %mul3A_5 = arith.muli %add3A, %mul3A_4 : i32
    %dma_start3A_6 = arith.constant 0 : i32
    %dma_start3A_7 = tpu.memref_slice %arg4[%mul3A_5, %dma_start3A_6] : memref<160x2000xi32, #tpu.memory_space<hbm>> -> memref<5x2000xi32, #tpu.memory_space<hbm>>
    %dma_start3A_8 = arith.constant 0 : i32
    %dma_start3A_9 = tpu.memref_slice %arg4[%mul3A_5, %dma_start3A_8] : memref<160x2000xi32, #tpu.memory_space<hbm>> -> memref<5x2000xi32, #tpu.memory_space<hbm>>
    tpu.enqueue_dma source(%dma_start3A_9 : memref<5x2000xi32, #tpu.memory_space<hbm>>) target(%arg7 : memref<5x2000xi32, #tpu.memory_space<vmem>>) target_semaphore(%arg13 : memref<!tpu.dma_semaphore, #tpu.memory_space<semaphore_mem>>)
    %lt3A = arith.constant 15 : i32
    %lt3A_10 = arith.cmpi slt, %arg1, %lt3A : i32
    %convert_element_type3A = arith.extui %lt3A_10 : i1 to i32
    %cond3A = arith.constant 0 : i32
    %cond3A_11 = arith.cmpi ne, %convert_element_type3A, %cond3A : i32
    scf.if %cond3A_11 {
      %mul3A_142 = arith.constant 640 : i32
      %mul3A_143 = arith.muli %arg1, %mul3A_142 : i32
      %mul3A_144 = arith.constant 640 : i32
      %mul3A_145 = arith.muli %arg1, %mul3A_144 : i32
      "tpu.region"() ({
        %run_scoped3A_146 = tpu.sem_alloc : memref<!tpu.dma_semaphore, #tpu.memory_space<semaphore_mem>>
        %dma_start3A_147 = arith.constant 0 : i32
        %dma_start3A_148 = tpu.memref_slice %arg11[%mul3A_145, %dma_start3A_147] : memref<10000x16xf32, #tpu.memory_space<vmem_shared>> -> memref<640x16xf32, #tpu.memory_space<vmem_shared>>
        %dma_start3A_149 = arith.constant 0 : i32
        %dma_start3A_150 = tpu.memref_slice %arg2[%mul3A_143, %dma_start3A_149] : memref<10000x16xf32, #tpu.memory_space<hbm>> -> memref<640x16xf32, #tpu.memory_space<hbm>>
        tpu.enqueue_dma source(%dma_start3A_150 : memref<640x16xf32, #tpu.memory_space<hbm>>) target(%dma_start3A_148 : memref<640x16xf32, #tpu.memory_space<vmem_shared>>) target_semaphore(%run_scoped3A_146 : memref<!tpu.dma_semaphore, #tpu.memory_space<semaphore_mem>>)
        %dma_wait3A_151 = arith.constant 0 : i32
        %dma_wait3A_152 = tpu.memref_slice %arg11[%mul3A_145, %dma_wait3A_151] : memref<10000x16xf32, #tpu.memory_space<vmem_shared>> -> memref<640x16xf32, #tpu.memory_space<vmem_shared>>
        %dma_wait3A_153 = arith.constant 0 : i32
        %dma_wait3A_154 = tpu.memref_slice %arg2[%mul3A_143, %dma_wait3A_153] : memref<10000x16xf32, #tpu.memory_space<hbm>> -> memref<640x16xf32, #tpu.memory_space<hbm>>
        tpu.wait_dma2 semaphore(%run_scoped3A_146 : memref<!tpu.dma_semaphore, #tpu.memory_space<semaphore_mem>>) src(%dma_wait3A_154 : memref<640x16xf32, #tpu.memory_space<hbm>>) dst(%dma_wait3A_152 : memref<640x16xf32, #tpu.memory_space<vmem_shared>>)
        tpu.yield
      }) : () -> ()
    } else {
    }
    %eq3A = arith.constant 15 : i32
    %eq3A_12 = arith.cmpi eq, %arg1, %eq3A : i32
    %convert_element_type3A_13 = arith.extui %eq3A_12 : i1 to i32
    %cond3A_14 = arith.constant 0 : i32
    %cond3A_15 = arith.cmpi ne, %convert_element_type3A_13, %cond3A_14 : i32
    scf.if %cond3A_15 {
      "tpu.region"() ({
        %run_scoped3A_142 = tpu.sem_alloc : memref<!tpu.dma_semaphore, #tpu.memory_space<semaphore_mem>>
        %dma_start3A_143 = arith.constant 9600 : i32
        %dma_start3A_144 = arith.constant 0 : i32
        %dma_start3A_145 = tpu.memref_slice %arg11[%dma_start3A_143, %dma_start3A_144] : memref<10000x16xf32, #tpu.memory_space<vmem_shared>> -> memref<400x16xf32, #tpu.memory_space<vmem_shared>>
        %dma_start3A_146 = arith.constant 9600 : i32
        %dma_start3A_147 = arith.constant 0 : i32
        %dma_start3A_148 = tpu.memref_slice %arg2[%dma_start3A_146, %dma_start3A_147] : memref<10000x16xf32, #tpu.memory_space<hbm>> -> memref<400x16xf32, #tpu.memory_space<hbm>>
        tpu.enqueue_dma source(%dma_start3A_148 : memref<400x16xf32, #tpu.memory_space<hbm>>) target(%dma_start3A_145 : memref<400x16xf32, #tpu.memory_space<vmem_shared>>) target_semaphore(%run_scoped3A_142 : memref<!tpu.dma_semaphore, #tpu.memory_space<semaphore_mem>>)
        %dma_wait3A_149 = arith.constant 9600 : i32
        %dma_wait3A_150 = arith.constant 0 : i32
        %dma_wait3A_151 = tpu.memref_slice %arg11[%dma_wait3A_149, %dma_wait3A_150] : memref<10000x16xf32, #tpu.memory_space<vmem_shared>> -> memref<400x16xf32, #tpu.memory_space<vmem_shared>>
        %dma_wait3A_152 = arith.constant 9600 : i32
        %dma_wait3A_153 = arith.constant 0 : i32
        %dma_wait3A_154 = tpu.memref_slice %arg2[%dma_wait3A_152, %dma_wait3A_153] : memref<10000x16xf32, #tpu.memory_space<hbm>> -> memref<400x16xf32, #tpu.memory_space<hbm>>
        tpu.wait_dma2 semaphore(%run_scoped3A_142 : memref<!tpu.dma_semaphore, #tpu.memory_space<semaphore_mem>>) src(%dma_wait3A_154 : memref<400x16xf32, #tpu.memory_space<hbm>>) dst(%dma_wait3A_151 : memref<400x16xf32, #tpu.memory_space<vmem_shared>>)
        tpu.yield
      }) : () -> ()
    } else {
    }
    %scan3A = arith.constant 0 : i32
    %scan3A_16 = arith.constant 0 : i32
    %scan3A_17 = arith.constant 640 : i32
    %scan3A_18 = arith.addi %scan3A_16, %scan3A_17 : i32
    %scan3A_19 = arith.constant 1 : i32
    scf.for %scan3A_142 = %scan3A_16 to %scan3A_18 step %scan3A_19  : i32 {
      %broadcast_in_dim3A = arith.constant 0.000000e+00 : f32
      %broadcast_in_dim3A_143 = vector.broadcast %broadcast_in_dim3A : f32 to vector<16xf32>
      %swap3A = arith.index_cast %scan3A_142 : i32 to index
      %swap3A_144 = arith.constant 0 : index
      %swap3A_145 = tpu.vector_load %arg9[%swap3A, %swap3A_144] {strides = array<i32>} : memref<640x16xf32, #tpu.memory_space<vmem>>, vector<1x16xf32>,
      %swap3A_146 = vector.shape_cast %swap3A_145 : vector<1x16xf32> to vector<16xf32>
      %swap3A_147 = vector.shape_cast %broadcast_in_dim3A_143 : vector<16xf32> to vector<1x16xf32>
      tpu.vector_store %arg9[%swap3A, %swap3A_144], %swap3A_147 {strides = array<i32>} : memref<640x16xf32, #tpu.memory_space<vmem>>, vector<1x16xf32>,
    }
    %scan3A_20 = arith.constant 640 : i32
    %mul3A_21 = arith.constant 640 : i32
    %mul3A_22 = arith.muli %arg1, %mul3A_21 : i32
    "tpu.region"() ({
      %run_scoped3A_142 = tpu.sem_alloc : memref<!tpu.dma_semaphore, #tpu.memory_space<semaphore_mem>>
      %dma_start3A_143 = arith.constant 0 : i32
      %dma_start3A_144 = tpu.memref_slice %arg10[%mul3A_22, %dma_start3A_143] : memref<10240x16xf32, #tpu.memory_space<vmem_shared>> -> memref<640x16xf32, #tpu.memory_space<vmem_shared>>
      %dma_start3A_145 = arith.constant 0 : i32
      %dma_start3A_146 = tpu.memref_slice %arg10[%mul3A_22, %dma_start3A_145] : memref<10240x16xf32, #tpu.memory_space<vmem_shared>> -> memref<640x16xf32, #tpu.memory_space<vmem_shared>>
      tpu.enqueue_dma source(%arg9 : memref<640x16xf32, #tpu.memory_space<vmem>>) target(%dma_start3A_146 : memref<640x16xf32, #tpu.memory_space<vmem_shared>>) target_semaphore(%run_scoped3A_142 : memref<!tpu.dma_semaphore, #tpu.memory_space<semaphore_mem>>)
      %dma_wait3A_147 = arith.constant 0 : i32
      %dma_wait3A_148 = tpu.memref_slice %arg10[%mul3A_22, %dma_wait3A_147] : memref<10240x16xf32, #tpu.memory_space<vmem_shared>> -> memref<640x16xf32, #tpu.memory_space<vmem_shared>>
      %dma_wait3A_149 = arith.constant 0 : i32
      %dma_wait3A_150 = tpu.memref_slice %arg10[%mul3A_22, %dma_wait3A_149] : memref<10240x16xf32, #tpu.memory_space<vmem_shared>> -> memref<640x16xf32, #tpu.memory_space<vmem_shared>>
      tpu.wait_dma2 semaphore(%run_scoped3A_142 : memref<!tpu.dma_semaphore, #tpu.memory_space<semaphore_mem>>) src(%arg9 : memref<640x16xf32, #tpu.memory_space<vmem>>) dst(%dma_wait3A_150 : memref<640x16xf32, #tpu.memory_space<vmem_shared>>)
      tpu.yield
    }) : () -> ()
    %dma_wait3A = tpu.memref_slice %arg3[%multiple_of3A] : memref<320000xi32, #tpu.memory_space<hbm>> -> memref<10000xi32, #tpu.memory_space<hbm>>
    %dma_wait3A_23 = tpu.memref_slice %arg3[%multiple_of3A] : memref<320000xi32, #tpu.memory_space<hbm>> -> memref<10000xi32, #tpu.memory_space<hbm>>
    tpu.wait_dma2 semaphore(%arg12 : memref<!tpu.dma_semaphore, #tpu.memory_space<semaphore_mem>>) src(%dma_wait3A_23 : memref<10000xi32, #tpu.memory_space<hbm>>) dst(%arg6 : memref<10000xi32, #tpu.memory_space<vmem>>)
    %dma_wait3A_24 = arith.constant 0 : i32
    %dma_wait3A_25 = tpu.memref_slice %arg4[%mul3A_5, %dma_wait3A_24] : memref<160x2000xi32, #tpu.memory_space<hbm>> -> memref<5x2000xi32, #tpu.memory_space<hbm>>
    %dma_wait3A_26 = arith.constant 0 : i32
    %dma_wait3A_27 = tpu.memref_slice %arg4[%mul3A_5, %dma_wait3A_26] : memref<160x2000xi32, #tpu.memory_space<hbm>> -> memref<5x2000xi32, #tpu.memory_space<hbm>>
    tpu.wait_dma2 semaphore(%arg13 : memref<!tpu.dma_semaphore, #tpu.memory_space<semaphore_mem>>) src(%dma_wait3A_27 : memref<5x2000xi32, #tpu.memory_space<hbm>>) dst(%arg7 : memref<5x2000xi32, #tpu.memory_space<vmem>>)
    %barrier3A = arith.constant 0 : index
    tpu.barrier barrier_id(%barrier3A)
    %dma_start3A_28 = arith.constant 0 : i32
    %dma_start3A_29 = arith.constant 0 : i32
    %dma_start3A_30 = arith.constant 0 : i32
    %dma_start3A_31 = tpu.memref_slice %arg8[%dma_start3A_28, %dma_start3A_29, %dma_start3A_30] : memref<2x2000x16xf32, #tpu.memory_space<vmem>> -> memref<1x2000x16xf32, #tpu.memory_space<vmem>>
    %dma_start3A_32 = tpu.memref_squeeze %dma_start3A_31 : memref<1x2000x16xf32, #tpu.memory_space<vmem>> -> memref<2000x16xf32, #tpu.memory_space<vmem>>
    %dma_start3A_33 = arith.constant 0 : i32
    %dma_start3A_34 = tpu.memref_slice %arg6[%dma_start3A_33] : memref<10000xi32, #tpu.memory_space<vmem>> -> memref<2000xi32, #tpu.memory_space<vmem>>
    %dma_start3A_35 = arith.constant 0 : i32
    %dma_start3A_36 = arith.constant 0 : i32
    %dma_start3A_37 = tpu.memref_slice %arg11[%dma_start3A_35, %dma_start3A_36] : memref<10000x16xf32, #tpu.memory_space<vmem_shared>> -> memref<10000x16xf32, #tpu.memory_space<vmem_shared>>
    tpu.enqueue_indirect_dma source(%dma_start3A_37 : memref<10000x16xf32, #tpu.memory_space<vmem_shared>>) target(%dma_start3A_32 : memref<2000x16xf32, #tpu.memory_space<vmem>>) offsets(%dma_start3A_34 : memref<2000xi32, #tpu.memory_space<vmem>>) semaphore(%arg14 : memref<!tpu.dma_semaphore, #tpu.memory_space<semaphore_mem>>)
    %dma_start3A_38 = arith.constant 1 : i32
    %dma_start3A_39 = arith.constant 0 : i32
    %dma_start3A_40 = arith.constant 0 : i32
    %dma_start3A_41 = tpu.memref_slice %arg8[%dma_start3A_38, %dma_start3A_39, %dma_start3A_40] : memref<2x2000x16xf32, #tpu.memory_space<vmem>> -> memref<1x2000x16xf32, #tpu.memory_space<vmem>>
    %dma_start3A_42 = tpu.memref_squeeze %dma_start3A_41 : memref<1x2000x16xf32, #tpu.memory_space<vmem>> -> memref<2000x16xf32, #tpu.memory_space<vmem>>
    %dma_start3A_43 = arith.constant 2000 : i32
    %dma_start3A_44 = tpu.memref_slice %arg6[%dma_start3A_43] : memref<10000xi32, #tpu.memory_space<vmem>> -> memref<2000xi32, #tpu.memory_space<vmem>>
    %dma_start3A_45 = arith.constant 0 : i32
    %dma_start3A_46 = arith.constant 0 : i32
    %dma_start3A_47 = tpu.memref_slice %arg11[%dma_start3A_45, %dma_start3A_46] : memref<10000x16xf32, #tpu.memory_space<vmem_shared>> -> memref<10000x16xf32, #tpu.memory_space<vmem_shared>>
    tpu.enqueue_indirect_dma source(%dma_start3A_47 : memref<10000x16xf32, #tpu.memory_space<vmem_shared>>) target(%dma_start3A_42 : memref<2000x16xf32, #tpu.memory_space<vmem>>) offsets(%dma_start3A_44 : memref<2000xi32, #tpu.memory_space<vmem>>) semaphore(%arg15 : memref<!tpu.dma_semaphore, #tpu.memory_space<semaphore_mem>>)
    %dma_wait3A_48 = arith.constant 0 : i32
    %dma_wait3A_49 = arith.constant 0 : i32
    %dma_wait3A_50 = arith.constant 0 : i32
    %dma_wait3A_51 = tpu.memref_slice %arg8[%dma_wait3A_48, %dma_wait3A_49, %dma_wait3A_50] : memref<2x2000x16xf32, #tpu.memory_space<vmem>> -> memref<1x2000x16xf32, #tpu.memory_space<vmem>>
    %dma_wait3A_52 = tpu.memref_squeeze %dma_wait3A_51 : memref<1x2000x16xf32, #tpu.memory_space<vmem>> -> memref<2000x16xf32, #tpu.memory_space<vmem>>
    %dma_wait3A_53 = arith.constant 0 : i32
    %dma_wait3A_54 = tpu.memref_slice %arg6[%dma_wait3A_53] : memref<10000xi32, #tpu.memory_space<vmem>> -> memref<2000xi32, #tpu.memory_space<vmem>>
    %dma_wait3A_55 = arith.constant 0 : i32
    %dma_wait3A_56 = arith.constant 0 : i32
    %dma_wait3A_57 = tpu.memref_slice %arg11[%dma_wait3A_55, %dma_wait3A_56] : memref<10000x16xf32, #tpu.memory_space<vmem_shared>> -> memref<10000x16xf32, #tpu.memory_space<vmem_shared>>
    tpu.wait_indirect_dma semaphore(%arg14 : memref<!tpu.dma_semaphore, #tpu.memory_space<semaphore_mem>>) src(%dma_wait3A_57 : memref<10000x16xf32, #tpu.memory_space<vmem_shared>>) dst(%dma_wait3A_52 : memref<2000x16xf32, #tpu.memory_space<vmem>>)
    %run_scoped3A = arith.constant 0 : i32
    %run_scoped3A_58 = arith.constant 0 : i32
    "tpu.region"() ({
      %run_scoped3A_142 = tpu.sem_alloc : memref<!tpu.dma_semaphore, #tpu.memory_space<semaphore_mem>>
      %dma_start3A_143 = arith.constant 0 : i32
      %dma_start3A_144 = arith.constant 0 : i32
      %dma_start3A_145 = tpu.memref_slice %arg8[%run_scoped3A, %dma_start3A_143, %dma_start3A_144] : memref<2x2000x16xf32, #tpu.memory_space<vmem>> -> memref<1x2000x16xf32, #tpu.memory_space<vmem>>
      %dma_start3A_146 = tpu.memref_squeeze %dma_start3A_145 : memref<1x2000x16xf32, #tpu.memory_space<vmem>> -> memref<2000x16xf32, #tpu.memory_space<vmem>>
      %dma_start3A_147 = arith.constant 0 : i32
      %dma_start3A_148 = tpu.memref_slice %arg7[%run_scoped3A_58, %dma_start3A_147] : memref<5x2000xi32, #tpu.memory_space<vmem>> -> memref<1x2000xi32, #tpu.memory_space<vmem>>
      %dma_start3A_149 = tpu.memref_squeeze %dma_start3A_148 : memref<1x2000xi32, #tpu.memory_space<vmem>> -> memref<2000xi32, #tpu.memory_space<vmem>>
      %dma_start3A_150 = arith.constant 0 : i32
      %dma_start3A_151 = arith.constant 0 : i32
      %dma_start3A_152 = tpu.memref_slice %arg10[%dma_start3A_150, %dma_start3A_151] : memref<10240x16xf32, #tpu.memory_space<vmem_shared>> -> memref<10240x16xf32, #tpu.memory_space<vmem_shared>>
      tpu.enqueue_indirect_dma source(%dma_start3A_146 : memref<2000x16xf32, #tpu.memory_space<vmem>>) target(%dma_start3A_152 : memref<10240x16xf32, #tpu.memory_space<vmem_shared>>) offsets(%dma_start3A_149 : memref<2000xi32, #tpu.memory_space<vmem>>) semaphore(%run_scoped3A_142 : memref<!tpu.dma_semaphore, #tpu.memory_space<semaphore_mem>>) {add = true}
      %dma_wait3A_153 = arith.constant 0 : i32
      %dma_wait3A_154 = arith.constant 0 : i32
      %dma_wait3A_155 = tpu.memref_slice %arg8[%run_scoped3A, %dma_wait3A_153, %dma_wait3A_154] : memref<2x2000x16xf32, #tpu.memory_space<vmem>> -> memref<1x2000x16xf32, #tpu.memory_space<vmem>>
      %dma_wait3A_156 = tpu.memref_squeeze %dma_wait3A_155 : memref<1x2000x16xf32, #tpu.memory_space<vmem>> -> memref<2000x16xf32, #tpu.memory_space<vmem>>
      %dma_wait3A_157 = arith.constant 0 : i32
      %dma_wait3A_158 = tpu.memref_slice %arg7[%run_scoped3A_58, %dma_wait3A_157] : memref<5x2000xi32, #tpu.memory_space<vmem>> -> memref<1x2000xi32, #tpu.memory_space<vmem>>
      %dma_wait3A_159 = tpu.memref_squeeze %dma_wait3A_158 : memref<1x2000xi32, #tpu.memory_space<vmem>> -> memref<2000xi32, #tpu.memory_space<vmem>>
      %dma_wait3A_160 = arith.constant 0 : i32
      %dma_wait3A_161 = arith.constant 0 : i32
      %dma_wait3A_162 = tpu.memref_slice %arg10[%dma_wait3A_160, %dma_wait3A_161] : memref<10240x16xf32, #tpu.memory_space<vmem_shared>> -> memref<10240x16xf32, #tpu.memory_space<vmem_shared>>
      tpu.wait_indirect_dma semaphore(%run_scoped3A_142 : memref<!tpu.dma_semaphore, #tpu.memory_space<semaphore_mem>>) src(%dma_wait3A_156 : memref<2000x16xf32, #tpu.memory_space<vmem>>) dst(%dma_wait3A_162 : memref<10240x16xf32, #tpu.memory_space<vmem_shared>>)
      tpu.yield
    }) : () -> ()
    %dma_start3A_59 = arith.constant 0 : i32
    %dma_start3A_60 = arith.constant 0 : i32
    %dma_start3A_61 = arith.constant 0 : i32
    %dma_start3A_62 = tpu.memref_slice %arg8[%dma_start3A_59, %dma_start3A_60, %dma_start3A_61] : memref<2x2000x16xf32, #tpu.memory_space<vmem>> -> memref<1x2000x16xf32, #tpu.memory_space<vmem>>
    %dma_start3A_63 = tpu.memref_squeeze %dma_start3A_62 : memref<1x2000x16xf32, #tpu.memory_space<vmem>> -> memref<2000x16xf32, #tpu.memory_space<vmem>>
    %dma_start3A_64 = arith.constant 4000 : i32
    %dma_start3A_65 = tpu.memref_slice %arg6[%dma_start3A_64] : memref<10000xi32, #tpu.memory_space<vmem>> -> memref<2000xi32, #tpu.memory_space<vmem>>
    %dma_start3A_66 = arith.constant 0 : i32
    %dma_start3A_67 = arith.constant 0 : i32
    %dma_start3A_68 = tpu.memref_slice %arg11[%dma_start3A_66, %dma_start3A_67] : memref<10000x16xf32, #tpu.memory_space<vmem_shared>> -> memref<10000x16xf32, #tpu.memory_space<vmem_shared>>
    tpu.enqueue_indirect_dma source(%dma_start3A_68 : memref<10000x16xf32, #tpu.memory_space<vmem_shared>>) target(%dma_start3A_63 : memref<2000x16xf32, #tpu.memory_space<vmem>>) offsets(%dma_start3A_65 : memref<2000xi32, #tpu.memory_space<vmem>>) semaphore(%arg14 : memref<!tpu.dma_semaphore, #tpu.memory_space<semaphore_mem>>)
    %dma_wait3A_69 = arith.constant 1 : i32
    %dma_wait3A_70 = arith.constant 0 : i32
    %dma_wait3A_71 = arith.constant 0 : i32
    %dma_wait3A_72 = tpu.memref_slice %arg8[%dma_wait3A_69, %dma_wait3A_70, %dma_wait3A_71] : memref<2x2000x16xf32, #tpu.memory_space<vmem>> -> memref<1x2000x16xf32, #tpu.memory_space<vmem>>
    %dma_wait3A_73 = tpu.memref_squeeze %dma_wait3A_72 : memref<1x2000x16xf32, #tpu.memory_space<vmem>> -> memref<2000x16xf32, #tpu.memory_space<vmem>>
    %dma_wait3A_74 = arith.constant 2000 : i32
    %dma_wait3A_75 = tpu.memref_slice %arg6[%dma_wait3A_74] : memref<10000xi32, #tpu.memory_space<vmem>> -> memref<2000xi32, #tpu.memory_space<vmem>>
    %dma_wait3A_76 = arith.constant 0 : i32
    %dma_wait3A_77 = arith.constant 0 : i32
    %dma_wait3A_78 = tpu.memref_slice %arg11[%dma_wait3A_76, %dma_wait3A_77] : memref<10000x16xf32, #tpu.memory_space<vmem_shared>> -> memref<10000x16xf32, #tpu.memory_space<vmem_shared>>
    tpu.wait_indirect_dma semaphore(%arg15 : memref<!tpu.dma_semaphore, #tpu.memory_space<semaphore_mem>>) src(%dma_wait3A_78 : memref<10000x16xf32, #tpu.memory_space<vmem_shared>>) dst(%dma_wait3A_73 : memref<2000x16xf32, #tpu.memory_space<vmem>>)
    %run_scoped3A_79 = arith.constant 1 : i32
    %run_scoped3A_80 = arith.constant 1 : i32
    "tpu.region"() ({
      %run_scoped3A_142 = tpu.sem_alloc : memref<!tpu.dma_semaphore, #tpu.memory_space<semaphore_mem>>
      %dma_start3A_143 = arith.constant 0 : i32
      %dma_start3A_144 = arith.constant 0 : i32
      %dma_start3A_145 = tpu.memref_slice %arg8[%run_scoped3A_79, %dma_start3A_143, %dma_start3A_144] : memref<2x2000x16xf32, #tpu.memory_space<vmem>> -> memref<1x2000x16xf32, #tpu.memory_space<vmem>>
      %dma_start3A_146 = tpu.memref_squeeze %dma_start3A_145 : memref<1x2000x16xf32, #tpu.memory_space<vmem>> -> memref<2000x16xf32, #tpu.memory_space<vmem>>
      %dma_start3A_147 = arith.constant 0 : i32
      %dma_start3A_148 = tpu.memref_slice %arg7[%run_scoped3A_80, %dma_start3A_147] : memref<5x2000xi32, #tpu.memory_space<vmem>> -> memref<1x2000xi32, #tpu.memory_space<vmem>>
      %dma_start3A_149 = tpu.memref_squeeze %dma_start3A_148 : memref<1x2000xi32, #tpu.memory_space<vmem>> -> memref<2000xi32, #tpu.memory_space<vmem>>
      %dma_start3A_150 = arith.constant 0 : i32
      %dma_start3A_151 = arith.constant 0 : i32
      %dma_start3A_152 = tpu.memref_slice %arg10[%dma_start3A_150, %dma_start3A_151] : memref<10240x16xf32, #tpu.memory_space<vmem_shared>> -> memref<10240x16xf32, #tpu.memory_space<vmem_shared>>
      tpu.enqueue_indirect_dma source(%dma_start3A_146 : memref<2000x16xf32, #tpu.memory_space<vmem>>) target(%dma_start3A_152 : memref<10240x16xf32, #tpu.memory_space<vmem_shared>>) offsets(%dma_start3A_149 : memref<2000xi32, #tpu.memory_space<vmem>>) semaphore(%run_scoped3A_142 : memref<!tpu.dma_semaphore, #tpu.memory_space<semaphore_mem>>) {add = true}
      %dma_wait3A_153 = arith.constant 0 : i32
      %dma_wait3A_154 = arith.constant 0 : i32
      %dma_wait3A_155 = tpu.memref_slice %arg8[%run_scoped3A_79, %dma_wait3A_153, %dma_wait3A_154] : memref<2x2000x16xf32, #tpu.memory_space<vmem>> -> memref<1x2000x16xf32, #tpu.memory_space<vmem>>
      %dma_wait3A_156 = tpu.memref_squeeze %dma_wait3A_155 : memref<1x2000x16xf32, #tpu.memory_space<vmem>> -> memref<2000x16xf32, #tpu.memory_space<vmem>>
      %dma_wait3A_157 = arith.constant 0 : i32
      %dma_wait3A_158 = tpu.memref_slice %arg7[%run_scoped3A_80, %dma_wait3A_157] : memref<5x2000xi32, #tpu.memory_space<vmem>> -> memref<1x2000xi32, #tpu.memory_space<vmem>>
      %dma_wait3A_159 = tpu.memref_squeeze %dma_wait3A_158 : memref<1x2000xi32, #tpu.memory_space<vmem>> -> memref<2000xi32, #tpu.memory_space<vmem>>
      %dma_wait3A_160 = arith.constant 0 : i32
      %dma_wait3A_161 = arith.constant 0 : i32
      %dma_wait3A_162 = tpu.memref_slice %arg10[%dma_wait3A_160, %dma_wait3A_161] : memref<10240x16xf32, #tpu.memory_space<vmem_shared>> -> memref<10240x16xf32, #tpu.memory_space<vmem_shared>>
      tpu.wait_indirect_dma semaphore(%run_scoped3A_142 : memref<!tpu.dma_semaphore, #tpu.memory_space<semaphore_mem>>) src(%dma_wait3A_156 : memref<2000x16xf32, #tpu.memory_space<vmem>>) dst(%dma_wait3A_162 : memref<10240x16xf32, #tpu.memory_space<vmem_shared>>)
      tpu.yield
    }) : () -> ()
    %dma_start3A_81 = arith.constant 1 : i32
    %dma_start3A_82 = arith.constant 0 : i32
    %dma_start3A_83 = arith.constant 0 : i32
    %dma_start3A_84 = tpu.memref_slice %arg8[%dma_start3A_81, %dma_start3A_82, %dma_start3A_83] : memref<2x2000x16xf32, #tpu.memory_space<vmem>> -> memref<1x2000x16xf32, #tpu.memory_space<vmem>>
    %dma_start3A_85 = tpu.memref_squeeze %dma_start3A_84 : memref<1x2000x16xf32, #tpu.memory_space<vmem>> -> memref<2000x16xf32, #tpu.memory_space<vmem>>
    %dma_start3A_86 = arith.constant 6000 : i32
    %dma_start3A_87 = tpu.memref_slice %arg6[%dma_start3A_86] : memref<10000xi32, #tpu.memory_space<vmem>> -> memref<2000xi32, #tpu.memory_space<vmem>>
    %dma_start3A_88 = arith.constant 0 : i32
    %dma_start3A_89 = arith.constant 0 : i32
    %dma_start3A_90 = tpu.memref_slice %arg11[%dma_start3A_88, %dma_start3A_89] : memref<10000x16xf32, #tpu.memory_space<vmem_shared>> -> memref<10000x16xf32, #tpu.memory_space<vmem_shared>>
    tpu.enqueue_indirect_dma source(%dma_start3A_90 : memref<10000x16xf32, #tpu.memory_space<vmem_shared>>) target(%dma_start3A_85 : memref<2000x16xf32, #tpu.memory_space<vmem>>) offsets(%dma_start3A_87 : memref<2000xi32, #tpu.memory_space<vmem>>) semaphore(%arg15 : memref<!tpu.dma_semaphore, #tpu.memory_space<semaphore_mem>>)
    %dma_wait3A_91 = arith.constant 0 : i32
    %dma_wait3A_92 = arith.constant 0 : i32
    %dma_wait3A_93 = arith.constant 0 : i32
    %dma_wait3A_94 = tpu.memref_slice %arg8[%dma_wait3A_91, %dma_wait3A_92, %dma_wait3A_93] : memref<2x2000x16xf32, #tpu.memory_space<vmem>> -> memref<1x2000x16xf32, #tpu.memory_space<vmem>>
    %dma_wait3A_95 = tpu.memref_squeeze %dma_wait3A_94 : memref<1x2000x16xf32, #tpu.memory_space<vmem>> -> memref<2000x16xf32, #tpu.memory_space<vmem>>
    %dma_wait3A_96 = arith.constant 4000 : i32
    %dma_wait3A_97 = tpu.memref_slice %arg6[%dma_wait3A_96] : memref<10000xi32, #tpu.memory_space<vmem>> -> memref<2000xi32, #tpu.memory_space<vmem>>
    %dma_wait3A_98 = arith.constant 0 : i32
    %dma_wait3A_99 = arith.constant 0 : i32
    %dma_wait3A_100 = tpu.memref_slice %arg11[%dma_wait3A_98, %dma_wait3A_99] : memref<10000x16xf32, #tpu.memory_space<vmem_shared>> -> memref<10000x16xf32, #tpu.memory_space<vmem_shared>>
    tpu.wait_indirect_dma semaphore(%arg14 : memref<!tpu.dma_semaphore, #tpu.memory_space<semaphore_mem>>) src(%dma_wait3A_100 : memref<10000x16xf32, #tpu.memory_space<vmem_shared>>) dst(%dma_wait3A_95 : memref<2000x16xf32, #tpu.memory_space<vmem>>)
    %run_scoped3A_101 = arith.constant 0 : i32
    %run_scoped3A_102 = arith.constant 2 : i32
    "tpu.region"() ({
      %run_scoped3A_142 = tpu.sem_alloc : memref<!tpu.dma_semaphore, #tpu.memory_space<semaphore_mem>>
      %dma_start3A_143 = arith.constant 0 : i32
      %dma_start3A_144 = arith.constant 0 : i32
      %dma_start3A_145 = tpu.memref_slice %arg8[%run_scoped3A_101, %dma_start3A_143, %dma_start3A_144] : memref<2x2000x16xf32, #tpu.memory_space<vmem>> -> memref<1x2000x16xf32, #tpu.memory_space<vmem>>
      %dma_start3A_146 = tpu.memref_squeeze %dma_start3A_145 : memref<1x2000x16xf32, #tpu.memory_space<vmem>> -> memref<2000x16xf32, #tpu.memory_space<vmem>>
      %dma_start3A_147 = arith.constant 0 : i32
      %dma_start3A_148 = tpu.memref_slice %arg7[%run_scoped3A_102, %dma_start3A_147] : memref<5x2000xi32, #tpu.memory_space<vmem>> -> memref<1x2000xi32, #tpu.memory_space<vmem>>
      %dma_start3A_149 = tpu.memref_squeeze %dma_start3A_148 : memref<1x2000xi32, #tpu.memory_space<vmem>> -> memref<2000xi32, #tpu.memory_space<vmem>>
      %dma_start3A_150 = arith.constant 0 : i32
      %dma_start3A_151 = arith.constant 0 : i32
      %dma_start3A_152 = tpu.memref_slice %arg10[%dma_start3A_150, %dma_start3A_151] : memref<10240x16xf32, #tpu.memory_space<vmem_shared>> -> memref<10240x16xf32, #tpu.memory_space<vmem_shared>>
      tpu.enqueue_indirect_dma source(%dma_start3A_146 : memref<2000x16xf32, #tpu.memory_space<vmem>>) target(%dma_start3A_152 : memref<10240x16xf32, #tpu.memory_space<vmem_shared>>) offsets(%dma_start3A_149 : memref<2000xi32, #tpu.memory_space<vmem>>) semaphore(%run_scoped3A_142 : memref<!tpu.dma_semaphore, #tpu.memory_space<semaphore_mem>>) {add = true}
      %dma_wait3A_153 = arith.constant 0 : i32
      %dma_wait3A_154 = arith.constant 0 : i32
      %dma_wait3A_155 = tpu.memref_slice %arg8[%run_scoped3A_101, %dma_wait3A_153, %dma_wait3A_154] : memref<2x2000x16xf32, #tpu.memory_space<vmem>> -> memref<1x2000x16xf32, #tpu.memory_space<vmem>>
      %dma_wait3A_156 = tpu.memref_squeeze %dma_wait3A_155 : memref<1x2000x16xf32, #tpu.memory_space<vmem>> -> memref<2000x16xf32, #tpu.memory_space<vmem>>
      %dma_wait3A_157 = arith.constant 0 : i32
      %dma_wait3A_158 = tpu.memref_slice %arg7[%run_scoped3A_102, %dma_wait3A_157] : memref<5x2000xi32, #tpu.memory_space<vmem>> -> memref<1x2000xi32, #tpu.memory_space<vmem>>
      %dma_wait3A_159 = tpu.memref_squeeze %dma_wait3A_158 : memref<1x2000xi32, #tpu.memory_space<vmem>> -> memref<2000xi32, #tpu.memory_space<vmem>>
      %dma_wait3A_160 = arith.constant 0 : i32
      %dma_wait3A_161 = arith.constant 0 : i32
      %dma_wait3A_162 = tpu.memref_slice %arg10[%dma_wait3A_160, %dma_wait3A_161] : memref<10240x16xf32, #tpu.memory_space<vmem_shared>> -> memref<10240x16xf32, #tpu.memory_space<vmem_shared>>
      tpu.wait_indirect_dma semaphore(%run_scoped3A_142 : memref<!tpu.dma_semaphore, #tpu.memory_space<semaphore_mem>>) src(%dma_wait3A_156 : memref<2000x16xf32, #tpu.memory_space<vmem>>) dst(%dma_wait3A_162 : memref<10240x16xf32, #tpu.memory_space<vmem_shared>>)
      tpu.yield
    }) : () -> ()
    %dma_start3A_103 = arith.constant 0 : i32
    %dma_start3A_104 = arith.constant 0 : i32
    %dma_start3A_105 = arith.constant 0 : i32
    %dma_start3A_106 = tpu.memref_slice %arg8[%dma_start3A_103, %dma_start3A_104, %dma_start3A_105] : memref<2x2000x16xf32, #tpu.memory_space<vmem>> -> memref<1x2000x16xf32, #tpu.memory_space<vmem>>
    %dma_start3A_107 = tpu.memref_squeeze %dma_start3A_106 : memref<1x2000x16xf32, #tpu.memory_space<vmem>> -> memref<2000x16xf32, #tpu.memory_space<vmem>>
    %dma_start3A_108 = arith.constant 8000 : i32
    %dma_start3A_109 = tpu.memref_slice %arg6[%dma_start3A_108] : memref<10000xi32, #tpu.memory_space<vmem>> -> memref<2000xi32, #tpu.memory_space<vmem>>
    %dma_start3A_110 = arith.constant 0 : i32
    %dma_start3A_111 = arith.constant 0 : i32
    %dma_start3A_112 = tpu.memref_slice %arg11[%dma_start3A_110, %dma_start3A_111] : memref<10000x16xf32, #tpu.memory_space<vmem_shared>> -> memref<10000x16xf32, #tpu.memory_space<vmem_shared>>
    tpu.enqueue_indirect_dma source(%dma_start3A_112 : memref<10000x16xf32, #tpu.memory_space<vmem_shared>>) target(%dma_start3A_107 : memref<2000x16xf32, #tpu.memory_space<vmem>>) offsets(%dma_start3A_109 : memref<2000xi32, #tpu.memory_space<vmem>>) semaphore(%arg14 : memref<!tpu.dma_semaphore, #tpu.memory_space<semaphore_mem>>)
    %dma_wait3A_113 = arith.constant 1 : i32
    %dma_wait3A_114 = arith.constant 0 : i32
    %dma_wait3A_115 = arith.constant 0 : i32
    %dma_wait3A_116 = tpu.memref_slice %arg8[%dma_wait3A_113, %dma_wait3A_114, %dma_wait3A_115] : memref<2x2000x16xf32, #tpu.memory_space<vmem>> -> memref<1x2000x16xf32, #tpu.memory_space<vmem>>
    %dma_wait3A_117 = tpu.memref_squeeze %dma_wait3A_116 : memref<1x2000x16xf32, #tpu.memory_space<vmem>> -> memref<2000x16xf32, #tpu.memory_space<vmem>>
    %dma_wait3A_118 = arith.constant 6000 : i32
    %dma_wait3A_119 = tpu.memref_slice %arg6[%dma_wait3A_118] : memref<10000xi32, #tpu.memory_space<vmem>> -> memref<2000xi32, #tpu.memory_space<vmem>>
    %dma_wait3A_120 = arith.constant 0 : i32
    %dma_wait3A_121 = arith.constant 0 : i32
    %dma_wait3A_122 = tpu.memref_slice %arg11[%dma_wait3A_120, %dma_wait3A_121] : memref<10000x16xf32, #tpu.memory_space<vmem_shared>> -> memref<10000x16xf32, #tpu.memory_space<vmem_shared>>
    tpu.wait_indirect_dma semaphore(%arg15 : memref<!tpu.dma_semaphore, #tpu.memory_space<semaphore_mem>>) src(%dma_wait3A_122 : memref<10000x16xf32, #tpu.memory_space<vmem_shared>>) dst(%dma_wait3A_117 : memref<2000x16xf32, #tpu.memory_space<vmem>>)
    %run_scoped3A_123 = arith.constant 1 : i32
    %run_scoped3A_124 = arith.constant 3 : i32
    "tpu.region"() ({
      %run_scoped3A_142 = tpu.sem_alloc : memref<!tpu.dma_semaphore, #tpu.memory_space<semaphore_mem>>
      %dma_start3A_143 = arith.constant 0 : i32
      %dma_start3A_144 = arith.constant 0 : i32
      %dma_start3A_145 = tpu.memref_slice %arg8[%run_scoped3A_123, %dma_start3A_143, %dma_start3A_144] : memref<2x2000x16xf32, #tpu.memory_space<vmem>> -> memref<1x2000x16xf32, #tpu.memory_space<vmem>>
      %dma_start3A_146 = tpu.memref_squeeze %dma_start3A_145 : memref<1x2000x16xf32, #tpu.memory_space<vmem>> -> memref<2000x16xf32, #tpu.memory_space<vmem>>
      %dma_start3A_147 = arith.constant 0 : i32
      %dma_start3A_148 = tpu.memref_slice %arg7[%run_scoped3A_124, %dma_start3A_147] : memref<5x2000xi32, #tpu.memory_space<vmem>> -> memref<1x2000xi32, #tpu.memory_space<vmem>>
      %dma_start3A_149 = tpu.memref_squeeze %dma_start3A_148 : memref<1x2000xi32, #tpu.memory_space<vmem>> -> memref<2000xi32, #tpu.memory_space<vmem>>
      %dma_start3A_150 = arith.constant 0 : i32
      %dma_start3A_151 = arith.constant 0 : i32
      %dma_start3A_152 = tpu.memref_slice %arg10[%dma_start3A_150, %dma_start3A_151] : memref<10240x16xf32, #tpu.memory_space<vmem_shared>> -> memref<10240x16xf32, #tpu.memory_space<vmem_shared>>
      tpu.enqueue_indirect_dma source(%dma_start3A_146 : memref<2000x16xf32, #tpu.memory_space<vmem>>) target(%dma_start3A_152 : memref<10240x16xf32, #tpu.memory_space<vmem_shared>>) offsets(%dma_start3A_149 : memref<2000xi32, #tpu.memory_space<vmem>>) semaphore(%run_scoped3A_142 : memref<!tpu.dma_semaphore, #tpu.memory_space<semaphore_mem>>) {add = true}
      %dma_wait3A_153 = arith.constant 0 : i32
      %dma_wait3A_154 = arith.constant 0 : i32
      %dma_wait3A_155 = tpu.memref_slice %arg8[%run_scoped3A_123, %dma_wait3A_153, %dma_wait3A_154] : memref<2x2000x16xf32, #tpu.memory_space<vmem>> -> memref<1x2000x16xf32, #tpu.memory_space<vmem>>
      %dma_wait3A_156 = tpu.memref_squeeze %dma_wait3A_155 : memref<1x2000x16xf32, #tpu.memory_space<vmem>> -> memref<2000x16xf32, #tpu.memory_space<vmem>>
      %dma_wait3A_157 = arith.constant 0 : i32
      %dma_wait3A_158 = tpu.memref_slice %arg7[%run_scoped3A_124, %dma_wait3A_157] : memref<5x2000xi32, #tpu.memory_space<vmem>> -> memref<1x2000xi32, #tpu.memory_space<vmem>>
      %dma_wait3A_159 = tpu.memref_squeeze %dma_wait3A_158 : memref<1x2000xi32, #tpu.memory_space<vmem>> -> memref<2000xi32, #tpu.memory_space<vmem>>
      %dma_wait3A_160 = arith.constant 0 : i32
      %dma_wait3A_161 = arith.constant 0 : i32
      %dma_wait3A_162 = tpu.memref_slice %arg10[%dma_wait3A_160, %dma_wait3A_161] : memref<10240x16xf32, #tpu.memory_space<vmem_shared>> -> memref<10240x16xf32, #tpu.memory_space<vmem_shared>>
      tpu.wait_indirect_dma semaphore(%run_scoped3A_142 : memref<!tpu.dma_semaphore, #tpu.memory_space<semaphore_mem>>) src(%dma_wait3A_156 : memref<2000x16xf32, #tpu.memory_space<vmem>>) dst(%dma_wait3A_162 : memref<10240x16xf32, #tpu.memory_space<vmem_shared>>)
      tpu.yield
    }) : () -> ()
    %dma_wait3A_125 = arith.constant 0 : i32
    %dma_wait3A_126 = arith.constant 0 : i32
    %dma_wait3A_127 = arith.constant 0 : i32
    %dma_wait3A_128 = tpu.memref_slice %arg8[%dma_wait3A_125, %dma_wait3A_126, %dma_wait3A_127] : memref<2x2000x16xf32, #tpu.memory_space<vmem>> -> memref<1x2000x16xf32, #tpu.memory_space<vmem>>
    %dma_wait3A_129 = tpu.memref_squeeze %dma_wait3A_128 : memref<1x2000x16xf32, #tpu.memory_space<vmem>> -> memref<2000x16xf32, #tpu.memory_space<vmem>>
    %dma_wait3A_130 = arith.constant 8000 : i32
    %dma_wait3A_131 = tpu.memref_slice %arg6[%dma_wait3A_130] : memref<10000xi32, #tpu.memory_space<vmem>> -> memref<2000xi32, #tpu.memory_space<vmem>>
    %dma_wait3A_132 = arith.constant 0 : i32
    %dma_wait3A_133 = arith.constant 0 : i32
    %dma_wait3A_134 = tpu.memref_slice %arg11[%dma_wait3A_132, %dma_wait3A_133] : memref<10000x16xf32, #tpu.memory_space<vmem_shared>> -> memref<10000x16xf32, #tpu.memory_space<vmem_shared>>
    tpu.wait_indirect_dma semaphore(%arg14 : memref<!tpu.dma_semaphore, #tpu.memory_space<semaphore_mem>>) src(%dma_wait3A_134 : memref<10000x16xf32, #tpu.memory_space<vmem_shared>>) dst(%dma_wait3A_129 : memref<2000x16xf32, #tpu.memory_space<vmem>>)
    %run_scoped3A_135 = arith.constant 0 : i32
    %run_scoped3A_136 = arith.constant 4 : i32
    "tpu.region"() ({
      %run_scoped3A_142 = tpu.sem_alloc : memref<!tpu.dma_semaphore, #tpu.memory_space<semaphore_mem>>
      %dma_start3A_143 = arith.constant 0 : i32
      %dma_start3A_144 = arith.constant 0 : i32
      %dma_start3A_145 = tpu.memref_slice %arg8[%run_scoped3A_135, %dma_start3A_143, %dma_start3A_144] : memref<2x2000x16xf32, #tpu.memory_space<vmem>> -> memref<1x2000x16xf32, #tpu.memory_space<vmem>>
      %dma_start3A_146 = tpu.memref_squeeze %dma_start3A_145 : memref<1x2000x16xf32, #tpu.memory_space<vmem>> -> memref<2000x16xf32, #tpu.memory_space<vmem>>
      %dma_start3A_147 = arith.constant 0 : i32
      %dma_start3A_148 = tpu.memref_slice %arg7[%run_scoped3A_136, %dma_start3A_147] : memref<5x2000xi32, #tpu.memory_space<vmem>> -> memref<1x2000xi32, #tpu.memory_space<vmem>>
      %dma_start3A_149 = tpu.memref_squeeze %dma_start3A_148 : memref<1x2000xi32, #tpu.memory_space<vmem>> -> memref<2000xi32, #tpu.memory_space<vmem>>
      %dma_start3A_150 = arith.constant 0 : i32
      %dma_start3A_151 = arith.constant 0 : i32
      %dma_start3A_152 = tpu.memref_slice %arg10[%dma_start3A_150, %dma_start3A_151] : memref<10240x16xf32, #tpu.memory_space<vmem_shared>> -> memref<10240x16xf32, #tpu.memory_space<vmem_shared>>
      tpu.enqueue_indirect_dma source(%dma_start3A_146 : memref<2000x16xf32, #tpu.memory_space<vmem>>) target(%dma_start3A_152 : memref<10240x16xf32, #tpu.memory_space<vmem_shared>>) offsets(%dma_start3A_149 : memref<2000xi32, #tpu.memory_space<vmem>>) semaphore(%run_scoped3A_142 : memref<!tpu.dma_semaphore, #tpu.memory_space<semaphore_mem>>) {add = true}
      %dma_wait3A_153 = arith.constant 0 : i32
      %dma_wait3A_154 = arith.constant 0 : i32
      %dma_wait3A_155 = tpu.memref_slice %arg8[%run_scoped3A_135, %dma_wait3A_153, %dma_wait3A_154] : memref<2x2000x16xf32, #tpu.memory_space<vmem>> -> memref<1x2000x16xf32, #tpu.memory_space<vmem>>
      %dma_wait3A_156 = tpu.memref_squeeze %dma_wait3A_155 : memref<1x2000x16xf32, #tpu.memory_space<vmem>> -> memref<2000x16xf32, #tpu.memory_space<vmem>>
      %dma_wait3A_157 = arith.constant 0 : i32
      %dma_wait3A_158 = tpu.memref_slice %arg7[%run_scoped3A_136, %dma_wait3A_157] : memref<5x2000xi32, #tpu.memory_space<vmem>> -> memref<1x2000xi32, #tpu.memory_space<vmem>>
      %dma_wait3A_159 = tpu.memref_squeeze %dma_wait3A_158 : memref<1x2000xi32, #tpu.memory_space<vmem>> -> memref<2000xi32, #tpu.memory_space<vmem>>
      %dma_wait3A_160 = arith.constant 0 : i32
      %dma_wait3A_161 = arith.constant 0 : i32
      %dma_wait3A_162 = tpu.memref_slice %arg10[%dma_wait3A_160, %dma_wait3A_161] : memref<10240x16xf32, #tpu.memory_space<vmem_shared>> -> memref<10240x16xf32, #tpu.memory_space<vmem_shared>>
      tpu.wait_indirect_dma semaphore(%run_scoped3A_142 : memref<!tpu.dma_semaphore, #tpu.memory_space<semaphore_mem>>) src(%dma_wait3A_156 : memref<2000x16xf32, #tpu.memory_space<vmem>>) dst(%dma_wait3A_162 : memref<10240x16xf32, #tpu.memory_space<vmem_shared>>)
      tpu.yield
    }) : () -> ()
    %barrier3A_137 = arith.constant 0 : index
    tpu.barrier barrier_id(%barrier3A_137)
    %mul3A_138 = arith.constant 640 : i32
    %mul3A_139 = arith.muli %arg1, %mul3A_138 : i32
    %mul3A_140 = arith.constant 640 : i32
    %mul3A_141 = arith.muli %arg1, %mul3A_140 : i32
    "tpu.region"() ({
      %run_scoped3A_142 = tpu.sem_alloc : memref<!tpu.dma_semaphore, #tpu.memory_space<semaphore_mem>>
      %dma_start3A_143 = arith.constant 0 : i32
      %dma_start3A_144 = tpu.memref_slice %arg5[%arg0, %mul3A_141, %dma_start3A_143] : memref<2x10240x16xf32, #tpu.memory_space<hbm>> -> memref<1x640x16xf32, #tpu.memory_space<hbm>>
      %dma_start3A_145 = tpu.memref_squeeze %dma_start3A_144 : memref<1x640x16xf32, #tpu.memory_space<hbm>> -> memref<640x16xf32, #tpu.memory_space<hbm>>
      %dma_start3A_146 = arith.constant 0 : i32
      %dma_start3A_147 = tpu.memref_slice %arg10[%mul3A_139, %dma_start3A_146] : memref<10240x16xf32, #tpu.memory_space<vmem_shared>> -> memref<640x16xf32, #tpu.memory_space<vmem_shared>>
      tpu.enqueue_dma source(%dma_start3A_147 : memref<640x16xf32, #tpu.memory_space<vmem_shared>>) target(%dma_start3A_145 : memref<640x16xf32, #tpu.memory_space<hbm>>) target_semaphore(%run_scoped3A_142 : memref<!tpu.dma_semaphore, #tpu.memory_space<semaphore_mem>>)
      %dma_wait3A_148 = arith.constant 0 : i32
      %dma_wait3A_149 = tpu.memref_slice %arg5[%arg0, %mul3A_141, %dma_wait3A_148] : memref<2x10240x16xf32, #tpu.memory_space<hbm>> -> memref<1x640x16xf32, #tpu.memory_space<hbm>>
      %dma_wait3A_150 = tpu.memref_squeeze %dma_wait3A_149 : memref<1x640x16xf32, #tpu.memory_space<hbm>> -> memref<640x16xf32, #tpu.memory_space<hbm>>
      %dma_wait3A_151 = arith.constant 0 : i32
      %dma_wait3A_152 = tpu.memref_slice %arg10[%mul3A_139, %dma_wait3A_151] : memref<10240x16xf32, #tpu.memory_space<vmem_shared>> -> memref<640x16xf32, #tpu.memory_space<vmem_shared>>
      tpu.wait_dma2 semaphore(%run_scoped3A_142 : memref<!tpu.dma_semaphore, #tpu.memory_space<semaphore_mem>>) src(%dma_wait3A_152 : memref<640x16xf32, #tpu.memory_space<vmem_shared>>) dst(%dma_wait3A_150 : memref<640x16xf32, #tpu.memory_space<hbm>>)
      tpu.yield
    }) : () -> ()
    return
  }
}

#map = affine_map<(d0, d1) -> (0, 0)>
#map1 = affine_map<(d0, d1) -> (0)>
#map2 = affine_map<(d0, d1) -> (0, 0, 0)>
module attributes {stable_mosaic.version = 14 : i64} {
  func.func @segsum(%arg0: i32, %arg1: i32, %arg2: memref<10000x16xf32, #tpu.memory_space<hbm>>, %arg3: memref<320000xi32, #tpu.memory_space<hbm>>, %arg4: memref<160x2000xi32, #tpu.memory_space<hbm>>, %arg5: memref<2x10240x16xf32, #tpu.memory_space<hbm>>, %arg6: memref<10000xi32, #tpu.memory_space<vmem>>, %arg7: memref<5x2000xi32, #tpu.memory_space<vmem>>, %arg8: memref<2x2000x16xf32, #tpu.memory_space<vmem>>, %arg9: memref<640x16xf32, #tpu.memory_space<vmem>>, %arg10: memref<10240x16xf32, #tpu.memory_space<vmem_shared>>, %arg11: memref<10000x16xf32, #tpu.memory_space<vmem_shared>>, %arg12: memref<!tpu.dma_semaphore, #tpu.memory_space<semaphore_mem>>, %arg13: memref<!tpu.dma_semaphore, #tpu.memory_space<semaphore_mem>>, %arg14: memref<!tpu.dma_semaphore, #tpu.memory_space<semaphore_mem>>, %arg15: memref<!tpu.dma_semaphore, #tpu.memory_space<semaphore_mem>>) attributes {dimension_semantics = [#tpu.dimension_semantics<core_parallel>, #tpu.dimension_semantics<subcore_parallel>], iteration_bounds = array<i64: 2, 16>, scalar_prefetch = 0 : i64, scratch_operands = 10 : i64, tpu.core_type = #tpu.core_type<sc_vector_subcore>, window_params = [{transform_indices = #map}, {transform_indices = #map1}, {transform_indices = #map}, {transform_indices = #map2}]} {
    %mul3A = arith.constant 16 : i32
    %mul3A_0 = arith.muli %arg0, %mul3A : i32
    %add3A = arith.addi %mul3A_0, %arg1 : i32
    %mul3A_1 = arith.constant 10000 : i32
    %mul3A_2 = arith.muli %add3A, %mul3A_1 : i32
    %multiple_of3A = tpu.assume_multiple %mul3A_2, 8 : i32
    %dma_start3A = tpu.memref_slice %arg3[%multiple_of3A] : memref<320000xi32, #tpu.memory_space<hbm>> -> memref<10000xi32, #tpu.memory_space<hbm>>
    %dma_start3A_3 = tpu.memref_slice %arg3[%multiple_of3A] : memref<320000xi32, #tpu.memory_space<hbm>> -> memref<10000xi32, #tpu.memory_space<hbm>>
    tpu.enqueue_dma source(%dma_start3A_3 : memref<10000xi32, #tpu.memory_space<hbm>>) target(%arg6 : memref<10000xi32, #tpu.memory_space<vmem>>) target_semaphore(%arg12 : memref<!tpu.dma_semaphore, #tpu.memory_space<semaphore_mem>>)
    %mul3A_4 = arith.constant 5 : i32
    %mul3A_5 = arith.muli %add3A, %mul3A_4 : i32
    %dma_start3A_6 = arith.constant 0 : i32
    %dma_start3A_7 = tpu.memref_slice %arg4[%mul3A_5, %dma_start3A_6] : memref<160x2000xi32, #tpu.memory_space<hbm>> -> memref<5x2000xi32, #tpu.memory_space<hbm>>
    %dma_start3A_8 = arith.constant 0 : i32
    %dma_start3A_9 = tpu.memref_slice %arg4[%mul3A_5, %dma_start3A_8] : memref<160x2000xi32, #tpu.memory_space<hbm>> -> memref<5x2000xi32, #tpu.memory_space<hbm>>
    tpu.enqueue_dma source(%dma_start3A_9 : memref<5x2000xi32, #tpu.memory_space<hbm>>) target(%arg7 : memref<5x2000xi32, #tpu.memory_space<vmem>>) target_semaphore(%arg13 : memref<!tpu.dma_semaphore, #tpu.memory_space<semaphore_mem>>)
    %lt3A = arith.constant 15 : i32
    %lt3A_10 = arith.cmpi slt, %arg1, %lt3A : i32
    %convert_element_type3A = arith.extui %lt3A_10 : i1 to i32
    %cond3A = arith.constant 0 : i32
    %cond3A_11 = arith.cmpi ne, %convert_element_type3A, %cond3A : i32
    scf.if %cond3A_11 {
      %mul3A_142 = arith.constant 640 : i32
      %mul3A_143 = arith.muli %arg1, %mul3A_142 : i32
      %mul3A_144 = arith.constant 640 : i32
      %mul3A_145 = arith.muli %arg1, %mul3A_144 : i32
      "tpu.region"() ({
        %run_scoped3A_146 = tpu.sem_alloc : memref<!tpu.dma_semaphore, #tpu.memory_space<semaphore_mem>>
        %dma_start3A_147 = arith.constant 0 : i32
        %dma_start3A_148 = tpu.memref_slice %arg11[%mul3A_145, %dma_start3A_147] : memref<10000x16xf32, #tpu.memory_space<vmem_shared>> -> memref<640x16xf32, #tpu.memory_space<vmem_shared>>
        %dma_start3A_149 = arith.constant 0 : i32
        %dma_start3A_150 = tpu.memref_slice %arg2[%mul3A_143, %dma_start3A_149] : memref<10000x16xf32, #tpu.memory_space<hbm>> -> memref<640x16xf32, #tpu.memory_space<hbm>>
        tpu.enqueue_dma source(%dma_start3A_150 : memref<640x16xf32, #tpu.memory_space<hbm>>) target(%dma_start3A_148 : memref<640x16xf32, #tpu.memory_space<vmem_shared>>) target_semaphore(%run_scoped3A_146 : memref<!tpu.dma_semaphore, #tpu.memory_space<semaphore_mem>>)
        %dma_wait3A_151 = arith.constant 0 : i32
        %dma_wait3A_152 = tpu.memref_slice %arg11[%mul3A_145, %dma_wait3A_151] : memref<10000x16xf32, #tpu.memory_space<vmem_shared>> -> memref<640x16xf32, #tpu.memory_space<vmem_shared>>
        %dma_wait3A_153 = arith.constant 0 : i32
        %dma_wait3A_154 = tpu.memref_slice %arg2[%mul3A_143, %dma_wait3A_153] : memref<10000x16xf32, #tpu.memory_space<hbm>> -> memref<640x16xf32, #tpu.memory_space<hbm>>
        tpu.wait_dma2 semaphore(%run_scoped3A_146 : memref<!tpu.dma_semaphore, #tpu.memory_space<semaphore_mem>>) src(%dma_wait3A_154 : memref<640x16xf32, #tpu.memory_space<hbm>>) dst(%dma_wait3A_152 : memref<640x16xf32, #tpu.memory_space<vmem_shared>>)
        tpu.yield
      }) : () -> ()
    } else {
    }
    %eq3A = arith.constant 15 : i32
    %eq3A_12 = arith.cmpi eq, %arg1, %eq3A : i32
    %convert_element_type3A_13 = arith.extui %eq3A_12 : i1 to i32
    %cond3A_14 = arith.constant 0 : i32
    %cond3A_15 = arith.cmpi ne, %convert_element_type3A_13, %cond3A_14 : i32
    scf.if %cond3A_15 {
      "tpu.region"() ({
        %run_scoped3A_142 = tpu.sem_alloc : memref<!tpu.dma_semaphore, #tpu.memory_space<semaphore_mem>>
        %dma_start3A_143 = arith.constant 9600 : i32
        %dma_start3A_144 = arith.constant 0 : i32
        %dma_start3A_145 = tpu.memref_slice %arg11[%dma_start3A_143, %dma_start3A_144] : memref<10000x16xf32, #tpu.memory_space<vmem_shared>> -> memref<400x16xf32, #tpu.memory_space<vmem_shared>>
        %dma_start3A_146 = arith.constant 9600 : i32
        %dma_start3A_147 = arith.constant 0 : i32
        %dma_start3A_148 = tpu.memref_slice %arg2[%dma_start3A_146, %dma_start3A_147] : memref<10000x16xf32, #tpu.memory_space<hbm>> -> memref<400x16xf32, #tpu.memory_space<hbm>>
        tpu.enqueue_dma source(%dma_start3A_148 : memref<400x16xf32, #tpu.memory_space<hbm>>) target(%dma_start3A_145 : memref<400x16xf32, #tpu.memory_space<vmem_shared>>) target_semaphore(%run_scoped3A_142 : memref<!tpu.dma_semaphore, #tpu.memory_space<semaphore_mem>>)
        %dma_wait3A_149 = arith.constant 9600 : i32
        %dma_wait3A_150 = arith.constant 0 : i32
        %dma_wait3A_151 = tpu.memref_slice %arg11[%dma_wait3A_149, %dma_wait3A_150] : memref<10000x16xf32, #tpu.memory_space<vmem_shared>> -> memref<400x16xf32, #tpu.memory_space<vmem_shared>>
        %dma_wait3A_152 = arith.constant 9600 : i32
        %dma_wait3A_153 = arith.constant 0 : i32
        %dma_wait3A_154 = tpu.memref_slice %arg2[%dma_wait3A_152, %dma_wait3A_153] : memref<10000x16xf32, #tpu.memory_space<hbm>> -> memref<400x16xf32, #tpu.memory_space<hbm>>
        tpu.wait_dma2 semaphore(%run_scoped3A_142 : memref<!tpu.dma_semaphore, #tpu.memory_space<semaphore_mem>>) src(%dma_wait3A_154 : memref<400x16xf32, #tpu.memory_space<hbm>>) dst(%dma_wait3A_151 : memref<400x16xf32, #tpu.memory_space<vmem_shared>>)
        tpu.yield
      }) : () -> ()
    } else {
    }
    %scan3A = arith.constant 0 : i32
    %scan3A_16 = arith.constant 0 : i32
    %scan3A_17 = arith.constant 640 : i32
    %scan3A_18 = arith.addi %scan3A_16, %scan3A_17 : i32
    %scan3A_19 = arith.constant 1 : i32
    scf.for %scan3A_142 = %scan3A_16 to %scan3A_18 step %scan3A_19  : i32 {
      %broadcast_in_dim3A = arith.constant 0.000000e+00 : f32
      %broadcast_in_dim3A_143 = vector.broadcast %broadcast_in_dim3A : f32 to vector<16xf32>
      %swap3A = arith.index_cast %scan3A_142 : i32 to index
      %swap3A_144 = arith.constant 0 : index
      %swap3A_145 = tpu.vector_load %arg9[%swap3A, %swap3A_144] {strides = array<i32>} : memref<640x16xf32, #tpu.memory_space<vmem>>, vector<1x16xf32>,
      %swap3A_146 = vector.shape_cast %swap3A_145 : vector<1x16xf32> to vector<16xf32>
      %swap3A_147 = vector.shape_cast %broadcast_in_dim3A_143 : vector<16xf32> to vector<1x16xf32>
      tpu.vector_store %arg9[%swap3A, %swap3A_144], %swap3A_147 {strides = array<i32>} : memref<640x16xf32, #tpu.memory_space<vmem>>, vector<1x16xf32>,
    }
    %scan3A_20 = arith.constant 640 : i32
    %mul3A_21 = arith.constant 640 : i32
    %mul3A_22 = arith.muli %arg1, %mul3A_21 : i32
    "tpu.region"() ({
      %run_scoped3A_142 = tpu.sem_alloc : memref<!tpu.dma_semaphore, #tpu.memory_space<semaphore_mem>>
      %dma_start3A_143 = arith.constant 0 : i32
      %dma_start3A_144 = tpu.memref_slice %arg10[%mul3A_22, %dma_start3A_143] : memref<10240x16xf32, #tpu.memory_space<vmem_shared>> -> memref<640x16xf32, #tpu.memory_space<vmem_shared>>
      %dma_start3A_145 = arith.constant 0 : i32
      %dma_start3A_146 = tpu.memref_slice %arg10[%mul3A_22, %dma_start3A_145] : memref<10240x16xf32, #tpu.memory_space<vmem_shared>> -> memref<640x16xf32, #tpu.memory_space<vmem_shared>>
      tpu.enqueue_dma source(%arg9 : memref<640x16xf32, #tpu.memory_space<vmem>>) target(%dma_start3A_146 : memref<640x16xf32, #tpu.memory_space<vmem_shared>>) target_semaphore(%run_scoped3A_142 : memref<!tpu.dma_semaphore, #tpu.memory_space<semaphore_mem>>)
      %dma_wait3A_147 = arith.constant 0 : i32
      %dma_wait3A_148 = tpu.memref_slice %arg10[%mul3A_22, %dma_wait3A_147] : memref<10240x16xf32, #tpu.memory_space<vmem_shared>> -> memref<640x16xf32, #tpu.memory_space<vmem_shared>>
      %dma_wait3A_149 = arith.constant 0 : i32
      %dma_wait3A_150 = tpu.memref_slice %arg10[%mul3A_22, %dma_wait3A_149] : memref<10240x16xf32, #tpu.memory_space<vmem_shared>> -> memref<640x16xf32, #tpu.memory_space<vmem_shared>>
      tpu.wait_dma2 semaphore(%run_scoped3A_142 : memref<!tpu.dma_semaphore, #tpu.memory_space<semaphore_mem>>) src(%arg9 : memref<640x16xf32, #tpu.memory_space<vmem>>) dst(%dma_wait3A_150 : memref<640x16xf32, #tpu.memory_space<vmem_shared>>)
      tpu.yield
    }) : () -> ()
    %dma_wait3A = tpu.memref_slice %arg3[%multiple_of3A] : memref<320000xi32, #tpu.memory_space<hbm>> -> memref<10000xi32, #tpu.memory_space<hbm>>
    %dma_wait3A_23 = tpu.memref_slice %arg3[%multiple_of3A] : memref<320000xi32, #tpu.memory_space<hbm>> -> memref<10000xi32, #tpu.memory_space<hbm>>
    tpu.wait_dma2 semaphore(%arg12 : memref<!tpu.dma_semaphore, #tpu.memory_space<semaphore_mem>>) src(%dma_wait3A_23 : memref<10000xi32, #tpu.memory_space<hbm>>) dst(%arg6 : memref<10000xi32, #tpu.memory_space<vmem>>)
    %dma_wait3A_24 = arith.constant 0 : i32
    %dma_wait3A_25 = tpu.memref_slice %arg4[%mul3A_5, %dma_wait3A_24] : memref<160x2000xi32, #tpu.memory_space<hbm>> -> memref<5x2000xi32, #tpu.memory_space<hbm>>
    %dma_wait3A_26 = arith.constant 0 : i32
    %dma_wait3A_27 = tpu.memref_slice %arg4[%mul3A_5, %dma_wait3A_26] : memref<160x2000xi32, #tpu.memory_space<hbm>> -> memref<5x2000xi32, #tpu.memory_space<hbm>>
    tpu.wait_dma2 semaphore(%arg13 : memref<!tpu.dma_semaphore, #tpu.memory_space<semaphore_mem>>) src(%dma_wait3A_27 : memref<5x2000xi32, #tpu.memory_space<hbm>>) dst(%arg7 : memref<5x2000xi32, #tpu.memory_space<vmem>>)
    %barrier3A = arith.constant 0 : index
    tpu.barrier barrier_id(%barrier3A)
    %dma_start3A_28 = arith.constant 0 : i32
    %dma_start3A_29 = arith.constant 0 : i32
    %dma_start3A_30 = arith.constant 0 : i32
    %dma_start3A_31 = tpu.memref_slice %arg8[%dma_start3A_28, %dma_start3A_29, %dma_start3A_30] : memref<2x2000x16xf32, #tpu.memory_space<vmem>> -> memref<1x2000x16xf32, #tpu.memory_space<vmem>>
    %dma_start3A_32 = tpu.memref_squeeze %dma_start3A_31 : memref<1x2000x16xf32, #tpu.memory_space<vmem>> -> memref<2000x16xf32, #tpu.memory_space<vmem>>
    %dma_start3A_33 = arith.constant 0 : i32
    %dma_start3A_34 = tpu.memref_slice %arg6[%dma_start3A_33] : memref<10000xi32, #tpu.memory_space<vmem>> -> memref<2000xi32, #tpu.memory_space<vmem>>
    %dma_start3A_35 = arith.constant 0 : i32
    %dma_start3A_36 = arith.constant 0 : i32
    %dma_start3A_37 = tpu.memref_slice %arg11[%dma_start3A_35, %dma_start3A_36] : memref<10000x16xf32, #tpu.memory_space<vmem_shared>> -> memref<10000x16xf32, #tpu.memory_space<vmem_shared>>
    tpu.enqueue_indirect_dma source(%dma_start3A_37 : memref<10000x16xf32, #tpu.memory_space<vmem_shared>>) target(%dma_start3A_32 : memref<2000x16xf32, #tpu.memory_space<vmem>>) offsets(%dma_start3A_34 : memref<2000xi32, #tpu.memory_space<vmem>>) semaphore(%arg14 : memref<!tpu.dma_semaphore, #tpu.memory_space<semaphore_mem>>)
    %dma_start3A_38 = arith.constant 1 : i32
    %dma_start3A_39 = arith.constant 0 : i32
    %dma_start3A_40 = arith.constant 0 : i32
    %dma_start3A_41 = tpu.memref_slice %arg8[%dma_start3A_38, %dma_start3A_39, %dma_start3A_40] : memref<2x2000x16xf32, #tpu.memory_space<vmem>> -> memref<1x2000x16xf32, #tpu.memory_space<vmem>>
    %dma_start3A_42 = tpu.memref_squeeze %dma_start3A_41 : memref<1x2000x16xf32, #tpu.memory_space<vmem>> -> memref<2000x16xf32, #tpu.memory_space<vmem>>
    %dma_start3A_43 = arith.constant 2000 : i32
    %dma_start3A_44 = tpu.memref_slice %arg6[%dma_start3A_43] : memref<10000xi32, #tpu.memory_space<vmem>> -> memref<2000xi32, #tpu.memory_space<vmem>>
    %dma_start3A_45 = arith.constant 0 : i32
    %dma_start3A_46 = arith.constant 0 : i32
    %dma_start3A_47 = tpu.memref_slice %arg11[%dma_start3A_45, %dma_start3A_46] : memref<10000x16xf32, #tpu.memory_space<vmem_shared>> -> memref<10000x16xf32, #tpu.memory_space<vmem_shared>>
    tpu.enqueue_indirect_dma source(%dma_start3A_47 : memref<10000x16xf32, #tpu.memory_space<vmem_shared>>) target(%dma_start3A_42 : memref<2000x16xf32, #tpu.memory_space<vmem>>) offsets(%dma_start3A_44 : memref<2000xi32, #tpu.memory_space<vmem>>) semaphore(%arg15 : memref<!tpu.dma_semaphore, #tpu.memory_space<semaphore_mem>>)
    %dma_wait3A_48 = arith.constant 0 : i32
    %dma_wait3A_49 = arith.constant 0 : i32
    %dma_wait3A_50 = arith.constant 0 : i32
    %dma_wait3A_51 = tpu.memref_slice %arg8[%dma_wait3A_48, %dma_wait3A_49, %dma_wait3A_50] : memref<2x2000x16xf32, #tpu.memory_space<vmem>> -> memref<1x2000x16xf32, #tpu.memory_space<vmem>>
    %dma_wait3A_52 = tpu.memref_squeeze %dma_wait3A_51 : memref<1x2000x16xf32, #tpu.memory_space<vmem>> -> memref<2000x16xf32, #tpu.memory_space<vmem>>
    %dma_wait3A_53 = arith.constant 0 : i32
    %dma_wait3A_54 = tpu.memref_slice %arg6[%dma_wait3A_53] : memref<10000xi32, #tpu.memory_space<vmem>> -> memref<2000xi32, #tpu.memory_space<vmem>>
    %dma_wait3A_55 = arith.constant 0 : i32
    %dma_wait3A_56 = arith.constant 0 : i32
    %dma_wait3A_57 = tpu.memref_slice %arg11[%dma_wait3A_55, %dma_wait3A_56] : memref<10000x16xf32, #tpu.memory_space<vmem_shared>> -> memref<10000x16xf32, #tpu.memory_space<vmem_shared>>
    tpu.wait_indirect_dma semaphore(%arg14 : memref<!tpu.dma_semaphore, #tpu.memory_space<semaphore_mem>>) src(%dma_wait3A_57 : memref<10000x16xf32, #tpu.memory_space<vmem_shared>>) dst(%dma_wait3A_52 : memref<2000x16xf32, #tpu.memory_space<vmem>>)
    %run_scoped3A = arith.constant 0 : i32
    %run_scoped3A_58 = arith.constant 0 : i32
    "tpu.region"() ({
      %run_scoped3A_142 = tpu.sem_alloc : memref<!tpu.dma_semaphore, #tpu.memory_space<semaphore_mem>>
      %dma_start3A_143 = arith.constant 0 : i32
      %dma_start3A_144 = arith.constant 0 : i32
      %dma_start3A_145 = tpu.memref_slice %arg8[%run_scoped3A, %dma_start3A_143, %dma_start3A_144] : memref<2x2000x16xf32, #tpu.memory_space<vmem>> -> memref<1x2000x16xf32, #tpu.memory_space<vmem>>
      %dma_start3A_146 = tpu.memref_squeeze %dma_start3A_145 : memref<1x2000x16xf32, #tpu.memory_space<vmem>> -> memref<2000x16xf32, #tpu.memory_space<vmem>>
      %dma_start3A_147 = arith.constant 0 : i32
      %dma_start3A_148 = tpu.memref_slice %arg7[%run_scoped3A_58, %dma_start3A_147] : memref<5x2000xi32, #tpu.memory_space<vmem>> -> memref<1x2000xi32, #tpu.memory_space<vmem>>
      %dma_start3A_149 = tpu.memref_squeeze %dma_start3A_148 : memref<1x2000xi32, #tpu.memory_space<vmem>> -> memref<2000xi32, #tpu.memory_space<vmem>>
      %dma_start3A_150 = arith.constant 0 : i32
      %dma_start3A_151 = arith.constant 0 : i32
      %dma_start3A_152 = tpu.memref_slice %arg10[%dma_start3A_150, %dma_start3A_151] : memref<10240x16xf32, #tpu.memory_space<vmem_shared>> -> memref<10240x16xf32, #tpu.memory_space<vmem_shared>>
      tpu.enqueue_indirect_dma source(%dma_start3A_146 : memref<2000x16xf32, #tpu.memory_space<vmem>>) target(%dma_start3A_152 : memref<10240x16xf32, #tpu.memory_space<vmem_shared>>) offsets(%dma_start3A_149 : memref<2000xi32, #tpu.memory_space<vmem>>) semaphore(%run_scoped3A_142 : memref<!tpu.dma_semaphore, #tpu.memory_space<semaphore_mem>>) {add = true}
      %dma_wait3A_153 = arith.constant 0 : i32
      %dma_wait3A_154 = arith.constant 0 : i32
      %dma_wait3A_155 = tpu.memref_slice %arg8[%run_scoped3A, %dma_wait3A_153, %dma_wait3A_154] : memref<2x2000x16xf32, #tpu.memory_space<vmem>> -> memref<1x2000x16xf32, #tpu.memory_space<vmem>>
      %dma_wait3A_156 = tpu.memref_squeeze %dma_wait3A_155 : memref<1x2000x16xf32, #tpu.memory_space<vmem>> -> memref<2000x16xf32, #tpu.memory_space<vmem>>
      %dma_wait3A_157 = arith.constant 0 : i32
      %dma_wait3A_158 = tpu.memref_slice %arg7[%run_scoped3A_58, %dma_wait3A_157] : memref<5x2000xi32, #tpu.memory_space<vmem>> -> memref<1x2000xi32, #tpu.memory_space<vmem>>
      %dma_wait3A_159 = tpu.memref_squeeze %dma_wait3A_158 : memref<1x2000xi32, #tpu.memory_space<vmem>> -> memref<2000xi32, #tpu.memory_space<vmem>>
      %dma_wait3A_160 = arith.constant 0 : i32
      %dma_wait3A_161 = arith.constant 0 : i32
      %dma_wait3A_162 = tpu.memref_slice %arg10[%dma_wait3A_160, %dma_wait3A_161] : memref<10240x16xf32, #tpu.memory_space<vmem_shared>> -> memref<10240x16xf32, #tpu.memory_space<vmem_shared>>
      tpu.wait_indirect_dma semaphore(%run_scoped3A_142 : memref<!tpu.dma_semaphore, #tpu.memory_space<semaphore_mem>>) src(%dma_wait3A_156 : memref<2000x16xf32, #tpu.memory_space<vmem>>) dst(%dma_wait3A_162 : memref<10240x16xf32, #tpu.memory_space<vmem_shared>>)
      tpu.yield
    }) : () -> ()
    %dma_start3A_59 = arith.constant 0 : i32
    %dma_start3A_60 = arith.constant 0 : i32
    %dma_start3A_61 = arith.constant 0 : i32
    %dma_start3A_62 = tpu.memref_slice %arg8[%dma_start3A_59, %dma_start3A_60, %dma_start3A_61] : memref<2x2000x16xf32, #tpu.memory_space<vmem>> -> memref<1x2000x16xf32, #tpu.memory_space<vmem>>
    %dma_start3A_63 = tpu.memref_squeeze %dma_start3A_62 : memref<1x2000x16xf32, #tpu.memory_space<vmem>> -> memref<2000x16xf32, #tpu.memory_space<vmem>>
    %dma_start3A_64 = arith.constant 4000 : i32
    %dma_start3A_65 = tpu.memref_slice %arg6[%dma_start3A_64] : memref<10000xi32, #tpu.memory_space<vmem>> -> memref<2000xi32, #tpu.memory_space<vmem>>
    %dma_start3A_66 = arith.constant 0 : i32
    %dma_start3A_67 = arith.constant 0 : i32
    %dma_start3A_68 = tpu.memref_slice %arg11[%dma_start3A_66, %dma_start3A_67] : memref<10000x16xf32, #tpu.memory_space<vmem_shared>> -> memref<10000x16xf32, #tpu.memory_space<vmem_shared>>
    tpu.enqueue_indirect_dma source(%dma_start3A_68 : memref<10000x16xf32, #tpu.memory_space<vmem_shared>>) target(%dma_start3A_63 : memref<2000x16xf32, #tpu.memory_space<vmem>>) offsets(%dma_start3A_65 : memref<2000xi32, #tpu.memory_space<vmem>>) semaphore(%arg14 : memref<!tpu.dma_semaphore, #tpu.memory_space<semaphore_mem>>)
    %dma_wait3A_69 = arith.constant 1 : i32
    %dma_wait3A_70 = arith.constant 0 : i32
    %dma_wait3A_71 = arith.constant 0 : i32
    %dma_wait3A_72 = tpu.memref_slice %arg8[%dma_wait3A_69, %dma_wait3A_70, %dma_wait3A_71] : memref<2x2000x16xf32, #tpu.memory_space<vmem>> -> memref<1x2000x16xf32, #tpu.memory_space<vmem>>
    %dma_wait3A_73 = tpu.memref_squeeze %dma_wait3A_72 : memref<1x2000x16xf32, #tpu.memory_space<vmem>> -> memref<2000x16xf32, #tpu.memory_space<vmem>>
    %dma_wait3A_74 = arith.constant 2000 : i32
    %dma_wait3A_75 = tpu.memref_slice %arg6[%dma_wait3A_74] : memref<10000xi32, #tpu.memory_space<vmem>> -> memref<2000xi32, #tpu.memory_space<vmem>>
    %dma_wait3A_76 = arith.constant 0 : i32
    %dma_wait3A_77 = arith.constant 0 : i32
    %dma_wait3A_78 = tpu.memref_slice %arg11[%dma_wait3A_76, %dma_wait3A_77] : memref<10000x16xf32, #tpu.memory_space<vmem_shared>> -> memref<10000x16xf32, #tpu.memory_space<vmem_shared>>
    tpu.wait_indirect_dma semaphore(%arg15 : memref<!tpu.dma_semaphore, #tpu.memory_space<semaphore_mem>>) src(%dma_wait3A_78 : memref<10000x16xf32, #tpu.memory_space<vmem_shared>>) dst(%dma_wait3A_73 : memref<2000x16xf32, #tpu.memory_space<vmem>>)
    %run_scoped3A_79 = arith.constant 1 : i32
    %run_scoped3A_80 = arith.constant 1 : i32
    "tpu.region"() ({
      %run_scoped3A_142 = tpu.sem_alloc : memref<!tpu.dma_semaphore, #tpu.memory_space<semaphore_mem>>
      %dma_start3A_143 = arith.constant 0 : i32
      %dma_start3A_144 = arith.constant 0 : i32
      %dma_start3A_145 = tpu.memref_slice %arg8[%run_scoped3A_79, %dma_start3A_143, %dma_start3A_144] : memref<2x2000x16xf32, #tpu.memory_space<vmem>> -> memref<1x2000x16xf32, #tpu.memory_space<vmem>>
      %dma_start3A_146 = tpu.memref_squeeze %dma_start3A_145 : memref<1x2000x16xf32, #tpu.memory_space<vmem>> -> memref<2000x16xf32, #tpu.memory_space<vmem>>
      %dma_start3A_147 = arith.constant 0 : i32
      %dma_start3A_148 = tpu.memref_slice %arg7[%run_scoped3A_80, %dma_start3A_147] : memref<5x2000xi32, #tpu.memory_space<vmem>> -> memref<1x2000xi32, #tpu.memory_space<vmem>>
      %dma_start3A_149 = tpu.memref_squeeze %dma_start3A_148 : memref<1x2000xi32, #tpu.memory_space<vmem>> -> memref<2000xi32, #tpu.memory_space<vmem>>
      %dma_start3A_150 = arith.constant 0 : i32
      %dma_start3A_151 = arith.constant 0 : i32
      %dma_start3A_152 = tpu.memref_slice %arg10[%dma_start3A_150, %dma_start3A_151] : memref<10240x16xf32, #tpu.memory_space<vmem_shared>> -> memref<10240x16xf32, #tpu.memory_space<vmem_shared>>
      tpu.enqueue_indirect_dma source(%dma_start3A_146 : memref<2000x16xf32, #tpu.memory_space<vmem>>) target(%dma_start3A_152 : memref<10240x16xf32, #tpu.memory_space<vmem_shared>>) offsets(%dma_start3A_149 : memref<2000xi32, #tpu.memory_space<vmem>>) semaphore(%run_scoped3A_142 : memref<!tpu.dma_semaphore, #tpu.memory_space<semaphore_mem>>) {add = true}
      %dma_wait3A_153 = arith.constant 0 : i32
      %dma_wait3A_154 = arith.constant 0 : i32
      %dma_wait3A_155 = tpu.memref_slice %arg8[%run_scoped3A_79, %dma_wait3A_153, %dma_wait3A_154] : memref<2x2000x16xf32, #tpu.memory_space<vmem>> -> memref<1x2000x16xf32, #tpu.memory_space<vmem>>
      %dma_wait3A_156 = tpu.memref_squeeze %dma_wait3A_155 : memref<1x2000x16xf32, #tpu.memory_space<vmem>> -> memref<2000x16xf32, #tpu.memory_space<vmem>>
      %dma_wait3A_157 = arith.constant 0 : i32
      %dma_wait3A_158 = tpu.memref_slice %arg7[%run_scoped3A_80, %dma_wait3A_157] : memref<5x2000xi32, #tpu.memory_space<vmem>> -> memref<1x2000xi32, #tpu.memory_space<vmem>>
      %dma_wait3A_159 = tpu.memref_squeeze %dma_wait3A_158 : memref<1x2000xi32, #tpu.memory_space<vmem>> -> memref<2000xi32, #tpu.memory_space<vmem>>
      %dma_wait3A_160 = arith.constant 0 : i32
      %dma_wait3A_161 = arith.constant 0 : i32
      %dma_wait3A_162 = tpu.memref_slice %arg10[%dma_wait3A_160, %dma_wait3A_161] : memref<10240x16xf32, #tpu.memory_space<vmem_shared>> -> memref<10240x16xf32, #tpu.memory_space<vmem_shared>>
      tpu.wait_indirect_dma semaphore(%run_scoped3A_142 : memref<!tpu.dma_semaphore, #tpu.memory_space<semaphore_mem>>) src(%dma_wait3A_156 : memref<2000x16xf32, #tpu.memory_space<vmem>>) dst(%dma_wait3A_162 : memref<10240x16xf32, #tpu.memory_space<vmem_shared>>)
      tpu.yield
    }) : () -> ()
    %dma_start3A_81 = arith.constant 1 : i32
    %dma_start3A_82 = arith.constant 0 : i32
    %dma_start3A_83 = arith.constant 0 : i32
    %dma_start3A_84 = tpu.memref_slice %arg8[%dma_start3A_81, %dma_start3A_82, %dma_start3A_83] : memref<2x2000x16xf32, #tpu.memory_space<vmem>> -> memref<1x2000x16xf32, #tpu.memory_space<vmem>>
    %dma_start3A_85 = tpu.memref_squeeze %dma_start3A_84 : memref<1x2000x16xf32, #tpu.memory_space<vmem>> -> memref<2000x16xf32, #tpu.memory_space<vmem>>
    %dma_start3A_86 = arith.constant 6000 : i32
    %dma_start3A_87 = tpu.memref_slice %arg6[%dma_start3A_86] : memref<10000xi32, #tpu.memory_space<vmem>> -> memref<2000xi32, #tpu.memory_space<vmem>>
    %dma_start3A_88 = arith.constant 0 : i32
    %dma_start3A_89 = arith.constant 0 : i32
    %dma_start3A_90 = tpu.memref_slice %arg11[%dma_start3A_88, %dma_start3A_89] : memref<10000x16xf32, #tpu.memory_space<vmem_shared>> -> memref<10000x16xf32, #tpu.memory_space<vmem_shared>>
    tpu.enqueue_indirect_dma source(%dma_start3A_90 : memref<10000x16xf32, #tpu.memory_space<vmem_shared>>) target(%dma_start3A_85 : memref<2000x16xf32, #tpu.memory_space<vmem>>) offsets(%dma_start3A_87 : memref<2000xi32, #tpu.memory_space<vmem>>) semaphore(%arg15 : memref<!tpu.dma_semaphore, #tpu.memory_space<semaphore_mem>>)
    %dma_wait3A_91 = arith.constant 0 : i32
    %dma_wait3A_92 = arith.constant 0 : i32
    %dma_wait3A_93 = arith.constant 0 : i32
    %dma_wait3A_94 = tpu.memref_slice %arg8[%dma_wait3A_91, %dma_wait3A_92, %dma_wait3A_93] : memref<2x2000x16xf32, #tpu.memory_space<vmem>> -> memref<1x2000x16xf32, #tpu.memory_space<vmem>>
    %dma_wait3A_95 = tpu.memref_squeeze %dma_wait3A_94 : memref<1x2000x16xf32, #tpu.memory_space<vmem>> -> memref<2000x16xf32, #tpu.memory_space<vmem>>
    %dma_wait3A_96 = arith.constant 4000 : i32
    %dma_wait3A_97 = tpu.memref_slice %arg6[%dma_wait3A_96] : memref<10000xi32, #tpu.memory_space<vmem>> -> memref<2000xi32, #tpu.memory_space<vmem>>
    %dma_wait3A_98 = arith.constant 0 : i32
    %dma_wait3A_99 = arith.constant 0 : i32
    %dma_wait3A_100 = tpu.memref_slice %arg11[%dma_wait3A_98, %dma_wait3A_99] : memref<10000x16xf32, #tpu.memory_space<vmem_shared>> -> memref<10000x16xf32, #tpu.memory_space<vmem_shared>>
    tpu.wait_indirect_dma semaphore(%arg14 : memref<!tpu.dma_semaphore, #tpu.memory_space<semaphore_mem>>) src(%dma_wait3A_100 : memref<10000x16xf32, #tpu.memory_space<vmem_shared>>) dst(%dma_wait3A_95 : memref<2000x16xf32, #tpu.memory_space<vmem>>)
    %run_scoped3A_101 = arith.constant 0 : i32
    %run_scoped3A_102 = arith.constant 2 : i32
    "tpu.region"() ({
      %run_scoped3A_142 = tpu.sem_alloc : memref<!tpu.dma_semaphore, #tpu.memory_space<semaphore_mem>>
      %dma_start3A_143 = arith.constant 0 : i32
      %dma_start3A_144 = arith.constant 0 : i32
      %dma_start3A_145 = tpu.memref_slice %arg8[%run_scoped3A_101, %dma_start3A_143, %dma_start3A_144] : memref<2x2000x16xf32, #tpu.memory_space<vmem>> -> memref<1x2000x16xf32, #tpu.memory_space<vmem>>
      %dma_start3A_146 = tpu.memref_squeeze %dma_start3A_145 : memref<1x2000x16xf32, #tpu.memory_space<vmem>> -> memref<2000x16xf32, #tpu.memory_space<vmem>>
      %dma_start3A_147 = arith.constant 0 : i32
      %dma_start3A_148 = tpu.memref_slice %arg7[%run_scoped3A_102, %dma_start3A_147] : memref<5x2000xi32, #tpu.memory_space<vmem>> -> memref<1x2000xi32, #tpu.memory_space<vmem>>
      %dma_start3A_149 = tpu.memref_squeeze %dma_start3A_148 : memref<1x2000xi32, #tpu.memory_space<vmem>> -> memref<2000xi32, #tpu.memory_space<vmem>>
      %dma_start3A_150 = arith.constant 0 : i32
      %dma_start3A_151 = arith.constant 0 : i32
      %dma_start3A_152 = tpu.memref_slice %arg10[%dma_start3A_150, %dma_start3A_151] : memref<10240x16xf32, #tpu.memory_space<vmem_shared>> -> memref<10240x16xf32, #tpu.memory_space<vmem_shared>>
      tpu.enqueue_indirect_dma source(%dma_start3A_146 : memref<2000x16xf32, #tpu.memory_space<vmem>>) target(%dma_start3A_152 : memref<10240x16xf32, #tpu.memory_space<vmem_shared>>) offsets(%dma_start3A_149 : memref<2000xi32, #tpu.memory_space<vmem>>) semaphore(%run_scoped3A_142 : memref<!tpu.dma_semaphore, #tpu.memory_space<semaphore_mem>>) {add = true}
      %dma_wait3A_153 = arith.constant 0 : i32
      %dma_wait3A_154 = arith.constant 0 : i32
      %dma_wait3A_155 = tpu.memref_slice %arg8[%run_scoped3A_101, %dma_wait3A_153, %dma_wait3A_154] : memref<2x2000x16xf32, #tpu.memory_space<vmem>> -> memref<1x2000x16xf32, #tpu.memory_space<vmem>>
      %dma_wait3A_156 = tpu.memref_squeeze %dma_wait3A_155 : memref<1x2000x16xf32, #tpu.memory_space<vmem>> -> memref<2000x16xf32, #tpu.memory_space<vmem>>
      %dma_wait3A_157 = arith.constant 0 : i32
      %dma_wait3A_158 = tpu.memref_slice %arg7[%run_scoped3A_102, %dma_wait3A_157] : memref<5x2000xi32, #tpu.memory_space<vmem>> -> memref<1x2000xi32, #tpu.memory_space<vmem>>
      %dma_wait3A_159 = tpu.memref_squeeze %dma_wait3A_158 : memref<1x2000xi32, #tpu.memory_space<vmem>> -> memref<2000xi32, #tpu.memory_space<vmem>>
      %dma_wait3A_160 = arith.constant 0 : i32
      %dma_wait3A_161 = arith.constant 0 : i32
      %dma_wait3A_162 = tpu.memref_slice %arg10[%dma_wait3A_160, %dma_wait3A_161] : memref<10240x16xf32, #tpu.memory_space<vmem_shared>> -> memref<10240x16xf32, #tpu.memory_space<vmem_shared>>
      tpu.wait_indirect_dma semaphore(%run_scoped3A_142 : memref<!tpu.dma_semaphore, #tpu.memory_space<semaphore_mem>>) src(%dma_wait3A_156 : memref<2000x16xf32, #tpu.memory_space<vmem>>) dst(%dma_wait3A_162 : memref<10240x16xf32, #tpu.memory_space<vmem_shared>>)
      tpu.yield
    }) : () -> ()
    %dma_start3A_103 = arith.constant 0 : i32
    %dma_start3A_104 = arith.constant 0 : i32
    %dma_start3A_105 = arith.constant 0 : i32
    %dma_start3A_106 = tpu.memref_slice %arg8[%dma_start3A_103, %dma_start3A_104, %dma_start3A_105] : memref<2x2000x16xf32, #tpu.memory_space<vmem>> -> memref<1x2000x16xf32, #tpu.memory_space<vmem>>
    %dma_start3A_107 = tpu.memref_squeeze %dma_start3A_106 : memref<1x2000x16xf32, #tpu.memory_space<vmem>> -> memref<2000x16xf32, #tpu.memory_space<vmem>>
    %dma_start3A_108 = arith.constant 8000 : i32
    %dma_start3A_109 = tpu.memref_slice %arg6[%dma_start3A_108] : memref<10000xi32, #tpu.memory_space<vmem>> -> memref<2000xi32, #tpu.memory_space<vmem>>
    %dma_start3A_110 = arith.constant 0 : i32
    %dma_start3A_111 = arith.constant 0 : i32
    %dma_start3A_112 = tpu.memref_slice %arg11[%dma_start3A_110, %dma_start3A_111] : memref<10000x16xf32, #tpu.memory_space<vmem_shared>> -> memref<10000x16xf32, #tpu.memory_space<vmem_shared>>
    tpu.enqueue_indirect_dma source(%dma_start3A_112 : memref<10000x16xf32, #tpu.memory_space<vmem_shared>>) target(%dma_start3A_107 : memref<2000x16xf32, #tpu.memory_space<vmem>>) offsets(%dma_start3A_109 : memref<2000xi32, #tpu.memory_space<vmem>>) semaphore(%arg14 : memref<!tpu.dma_semaphore, #tpu.memory_space<semaphore_mem>>)
    %dma_wait3A_113 = arith.constant 1 : i32
    %dma_wait3A_114 = arith.constant 0 : i32
    %dma_wait3A_115 = arith.constant 0 : i32
    %dma_wait3A_116 = tpu.memref_slice %arg8[%dma_wait3A_113, %dma_wait3A_114, %dma_wait3A_115] : memref<2x2000x16xf32, #tpu.memory_space<vmem>> -> memref<1x2000x16xf32, #tpu.memory_space<vmem>>
    %dma_wait3A_117 = tpu.memref_squeeze %dma_wait3A_116 : memref<1x2000x16xf32, #tpu.memory_space<vmem>> -> memref<2000x16xf32, #tpu.memory_space<vmem>>
    %dma_wait3A_118 = arith.constant 6000 : i32
    %dma_wait3A_119 = tpu.memref_slice %arg6[%dma_wait3A_118] : memref<10000xi32, #tpu.memory_space<vmem>> -> memref<2000xi32, #tpu.memory_space<vmem>>
    %dma_wait3A_120 = arith.constant 0 : i32
    %dma_wait3A_121 = arith.constant 0 : i32
    %dma_wait3A_122 = tpu.memref_slice %arg11[%dma_wait3A_120, %dma_wait3A_121] : memref<10000x16xf32, #tpu.memory_space<vmem_shared>> -> memref<10000x16xf32, #tpu.memory_space<vmem_shared>>
    tpu.wait_indirect_dma semaphore(%arg15 : memref<!tpu.dma_semaphore, #tpu.memory_space<semaphore_mem>>) src(%dma_wait3A_122 : memref<10000x16xf32, #tpu.memory_space<vmem_shared>>) dst(%dma_wait3A_117 : memref<2000x16xf32, #tpu.memory_space<vmem>>)
    %run_scoped3A_123 = arith.constant 1 : i32
    %run_scoped3A_124 = arith.constant 3 : i32
    "tpu.region"() ({
      %run_scoped3A_142 = tpu.sem_alloc : memref<!tpu.dma_semaphore, #tpu.memory_space<semaphore_mem>>
      %dma_start3A_143 = arith.constant 0 : i32
      %dma_start3A_144 = arith.constant 0 : i32
      %dma_start3A_145 = tpu.memref_slice %arg8[%run_scoped3A_123, %dma_start3A_143, %dma_start3A_144] : memref<2x2000x16xf32, #tpu.memory_space<vmem>> -> memref<1x2000x16xf32, #tpu.memory_space<vmem>>
      %dma_start3A_146 = tpu.memref_squeeze %dma_start3A_145 : memref<1x2000x16xf32, #tpu.memory_space<vmem>> -> memref<2000x16xf32, #tpu.memory_space<vmem>>
      %dma_start3A_147 = arith.constant 0 : i32
      %dma_start3A_148 = tpu.memref_slice %arg7[%run_scoped3A_124, %dma_start3A_147] : memref<5x2000xi32, #tpu.memory_space<vmem>> -> memref<1x2000xi32, #tpu.memory_space<vmem>>
      %dma_start3A_149 = tpu.memref_squeeze %dma_start3A_148 : memref<1x2000xi32, #tpu.memory_space<vmem>> -> memref<2000xi32, #tpu.memory_space<vmem>>
      %dma_start3A_150 = arith.constant 0 : i32
      %dma_start3A_151 = arith.constant 0 : i32
      %dma_start3A_152 = tpu.memref_slice %arg10[%dma_start3A_150, %dma_start3A_151] : memref<10240x16xf32, #tpu.memory_space<vmem_shared>> -> memref<10240x16xf32, #tpu.memory_space<vmem_shared>>
      tpu.enqueue_indirect_dma source(%dma_start3A_146 : memref<2000x16xf32, #tpu.memory_space<vmem>>) target(%dma_start3A_152 : memref<10240x16xf32, #tpu.memory_space<vmem_shared>>) offsets(%dma_start3A_149 : memref<2000xi32, #tpu.memory_space<vmem>>) semaphore(%run_scoped3A_142 : memref<!tpu.dma_semaphore, #tpu.memory_space<semaphore_mem>>) {add = true}
      %dma_wait3A_153 = arith.constant 0 : i32
      %dma_wait3A_154 = arith.constant 0 : i32
      %dma_wait3A_155 = tpu.memref_slice %arg8[%run_scoped3A_123, %dma_wait3A_153, %dma_wait3A_154] : memref<2x2000x16xf32, #tpu.memory_space<vmem>> -> memref<1x2000x16xf32, #tpu.memory_space<vmem>>
      %dma_wait3A_156 = tpu.memref_squeeze %dma_wait3A_155 : memref<1x2000x16xf32, #tpu.memory_space<vmem>> -> memref<2000x16xf32, #tpu.memory_space<vmem>>
      %dma_wait3A_157 = arith.constant 0 : i32
      %dma_wait3A_158 = tpu.memref_slice %arg7[%run_scoped3A_124, %dma_wait3A_157] : memref<5x2000xi32, #tpu.memory_space<vmem>> -> memref<1x2000xi32, #tpu.memory_space<vmem>>
      %dma_wait3A_159 = tpu.memref_squeeze %dma_wait3A_158 : memref<1x2000xi32, #tpu.memory_space<vmem>> -> memref<2000xi32, #tpu.memory_space<vmem>>
      %dma_wait3A_160 = arith.constant 0 : i32
      %dma_wait3A_161 = arith.constant 0 : i32
      %dma_wait3A_162 = tpu.memref_slice %arg10[%dma_wait3A_160, %dma_wait3A_161] : memref<10240x16xf32, #tpu.memory_space<vmem_shared>> -> memref<10240x16xf32, #tpu.memory_space<vmem_shared>>
      tpu.wait_indirect_dma semaphore(%run_scoped3A_142 : memref<!tpu.dma_semaphore, #tpu.memory_space<semaphore_mem>>) src(%dma_wait3A_156 : memref<2000x16xf32, #tpu.memory_space<vmem>>) dst(%dma_wait3A_162 : memref<10240x16xf32, #tpu.memory_space<vmem_shared>>)
      tpu.yield
    }) : () -> ()
    %dma_wait3A_125 = arith.constant 0 : i32
    %dma_wait3A_126 = arith.constant 0 : i32
    %dma_wait3A_127 = arith.constant 0 : i32
    %dma_wait3A_128 = tpu.memref_slice %arg8[%dma_wait3A_125, %dma_wait3A_126, %dma_wait3A_127] : memref<2x2000x16xf32, #tpu.memory_space<vmem>> -> memref<1x2000x16xf32, #tpu.memory_space<vmem>>
    %dma_wait3A_129 = tpu.memref_squeeze %dma_wait3A_128 : memref<1x2000x16xf32, #tpu.memory_space<vmem>> -> memref<2000x16xf32, #tpu.memory_space<vmem>>
    %dma_wait3A_130 = arith.constant 8000 : i32
    %dma_wait3A_131 = tpu.memref_slice %arg6[%dma_wait3A_130] : memref<10000xi32, #tpu.memory_space<vmem>> -> memref<2000xi32, #tpu.memory_space<vmem>>
    %dma_wait3A_132 = arith.constant 0 : i32
    %dma_wait3A_133 = arith.constant 0 : i32
    %dma_wait3A_134 = tpu.memref_slice %arg11[%dma_wait3A_132, %dma_wait3A_133] : memref<10000x16xf32, #tpu.memory_space<vmem_shared>> -> memref<10000x16xf32, #tpu.memory_space<vmem_shared>>
    tpu.wait_indirect_dma semaphore(%arg14 : memref<!tpu.dma_semaphore, #tpu.memory_space<semaphore_mem>>) src(%dma_wait3A_134 : memref<10000x16xf32, #tpu.memory_space<vmem_shared>>) dst(%dma_wait3A_129 : memref<2000x16xf32, #tpu.memory_space<vmem>>)
    %run_scoped3A_135 = arith.constant 0 : i32
    %run_scoped3A_136 = arith.constant 4 : i32
    "tpu.region"() ({
      %run_scoped3A_142 = tpu.sem_alloc : memref<!tpu.dma_semaphore, #tpu.memory_space<semaphore_mem>>
      %dma_start3A_143 = arith.constant 0 : i32
      %dma_start3A_144 = arith.constant 0 : i32
      %dma_start3A_145 = tpu.memref_slice %arg8[%run_scoped3A_135, %dma_start3A_143, %dma_start3A_144] : memref<2x2000x16xf32, #tpu.memory_space<vmem>> -> memref<1x2000x16xf32, #tpu.memory_space<vmem>>
      %dma_start3A_146 = tpu.memref_squeeze %dma_start3A_145 : memref<1x2000x16xf32, #tpu.memory_space<vmem>> -> memref<2000x16xf32, #tpu.memory_space<vmem>>
      %dma_start3A_147 = arith.constant 0 : i32
      %dma_start3A_148 = tpu.memref_slice %arg7[%run_scoped3A_136, %dma_start3A_147] : memref<5x2000xi32, #tpu.memory_space<vmem>> -> memref<1x2000xi32, #tpu.memory_space<vmem>>
      %dma_start3A_149 = tpu.memref_squeeze %dma_start3A_148 : memref<1x2000xi32, #tpu.memory_space<vmem>> -> memref<2000xi32, #tpu.memory_space<vmem>>
      %dma_start3A_150 = arith.constant 0 : i32
      %dma_start3A_151 = arith.constant 0 : i32
      %dma_start3A_152 = tpu.memref_slice %arg10[%dma_start3A_150, %dma_start3A_151] : memref<10240x16xf32, #tpu.memory_space<vmem_shared>> -> memref<10240x16xf32, #tpu.memory_space<vmem_shared>>
      tpu.enqueue_indirect_dma source(%dma_start3A_146 : memref<2000x16xf32, #tpu.memory_space<vmem>>) target(%dma_start3A_152 : memref<10240x16xf32, #tpu.memory_space<vmem_shared>>) offsets(%dma_start3A_149 : memref<2000xi32, #tpu.memory_space<vmem>>) semaphore(%run_scoped3A_142 : memref<!tpu.dma_semaphore, #tpu.memory_space<semaphore_mem>>) {add = true}
      %dma_wait3A_153 = arith.constant 0 : i32
      %dma_wait3A_154 = arith.constant 0 : i32
      %dma_wait3A_155 = tpu.memref_slice %arg8[%run_scoped3A_135, %dma_wait3A_153, %dma_wait3A_154] : memref<2x2000x16xf32, #tpu.memory_space<vmem>> -> memref<1x2000x16xf32, #tpu.memory_space<vmem>>
      %dma_wait3A_156 = tpu.memref_squeeze %dma_wait3A_155 : memref<1x2000x16xf32, #tpu.memory_space<vmem>> -> memref<2000x16xf32, #tpu.memory_space<vmem>>
      %dma_wait3A_157 = arith.constant 0 : i32
      %dma_wait3A_158 = tpu.memref_slice %arg7[%run_scoped3A_136, %dma_wait3A_157] : memref<5x2000xi32, #tpu.memory_space<vmem>> -> memref<1x2000xi32, #tpu.memory_space<vmem>>
      %dma_wait3A_159 = tpu.memref_squeeze %dma_wait3A_158 : memref<1x2000xi32, #tpu.memory_space<vmem>> -> memref<2000xi32, #tpu.memory_space<vmem>>
      %dma_wait3A_160 = arith.constant 0 : i32
      %dma_wait3A_161 = arith.constant 0 : i32
      %dma_wait3A_162 = tpu.memref_slice %arg10[%dma_wait3A_160, %dma_wait3A_161] : memref<10240x16xf32, #tpu.memory_space<vmem_shared>> -> memref<10240x16xf32, #tpu.memory_space<vmem_shared>>
      tpu.wait_indirect_dma semaphore(%run_scoped3A_142 : memref<!tpu.dma_semaphore, #tpu.memory_space<semaphore_mem>>) src(%dma_wait3A_156 : memref<2000x16xf32, #tpu.memory_space<vmem>>) dst(%dma_wait3A_162 : memref<10240x16xf32, #tpu.memory_space<vmem_shared>>)
      tpu.yield
    }) : () -> ()
    %barrier3A_137 = arith.constant 0 : index
    tpu.barrier barrier_id(%barrier3A_137)
    %mul3A_138 = arith.constant 640 : i32
    %mul3A_139 = arith.muli %arg1, %mul3A_138 : i32
    %mul3A_140 = arith.constant 640 : i32
    %mul3A_141 = arith.muli %arg1, %mul3A_140 : i32
    "tpu.region"() ({
      %run_scoped3A_142 = tpu.sem_alloc : memref<!tpu.dma_semaphore, #tpu.memory_space<semaphore_mem>>
      %dma_start3A_143 = arith.constant 0 : i32
      %dma_start3A_144 = tpu.memref_slice %arg5[%arg0, %mul3A_141, %dma_start3A_143] : memref<2x10240x16xf32, #tpu.memory_space<hbm>> -> memref<1x640x16xf32, #tpu.memory_space<hbm>>
      %dma_start3A_145 = tpu.memref_squeeze %dma_start3A_144 : memref<1x640x16xf32, #tpu.memory_space<hbm>> -> memref<640x16xf32, #tpu.memory_space<hbm>>
      %dma_start3A_146 = arith.constant 0 : i32
      %dma_start3A_147 = tpu.memref_slice %arg10[%mul3A_139, %dma_start3A_146] : memref<10240x16xf32, #tpu.memory_space<vmem_shared>> -> memref<640x16xf32, #tpu.memory_space<vmem_shared>>
      tpu.enqueue_dma source(%dma_start3A_147 : memref<640x16xf32, #tpu.memory_space<vmem_shared>>) target(%dma_start3A_145 : memref<640x16xf32, #tpu.memory_space<hbm>>) target_semaphore(%run_scoped3A_142 : memref<!tpu.dma_semaphore, #tpu.memory_space<semaphore_mem>>)
      %dma_wait3A_148 = arith.constant 0 : i32
      %dma_wait3A_149 = tpu.memref_slice %arg5[%arg0, %mul3A_141, %dma_wait3A_148] : memref<2x10240x16xf32, #tpu.memory_space<hbm>> -> memref<1x640x16xf32, #tpu.memory_space<hbm>>
      %dma_wait3A_150 = tpu.memref_squeeze %dma_wait3A_149 : memref<1x640x16xf32, #tpu.memory_space<hbm>> -> memref<640x16xf32, #tpu.memory_space<hbm>>
      %dma_wait3A_151 = arith.constant 0 : i32
      %dma_wait3A_152 = tpu.memref_slice %arg10[%mul3A_139, %dma_wait3A_151] : memref<10240x16xf32, #tpu.memory_space<vmem_shared>> -> memref<640x16xf32, #tpu.memory_space<vmem_shared>>
      tpu.wait_dma2 semaphore(%run_scoped3A_142 : memref<!tpu.dma_semaphore, #tpu.memory_space<semaphore_mem>>) src(%dma_wait3A_152 : memref<640x16xf32, #tpu.memory_space<vmem_shared>>) dst(%dma_wait3A_150 : memref<640x16xf32, #tpu.memory_space<hbm>>)
      tpu.yield
    }) : () -> ()
    return
  }
}

module attributes {stable_mosaic.version = 14 : i64} {
  func.func @_proj_body(%arg0: memref<10000x128xf32, #tpu.memory_space<vmem>>, %arg1: memref<128x16xf32, #tpu.memory_space<vmem>>, %arg2: memref<10000x16xf32, #tpu.memory_space<vmem>>) attributes {dimension_semantics = [], scalar_prefetch = 0 : i64, scratch_operands = 0 : i64, tpu.core_type = #tpu.core_type<tc>} {
    %get3A = arith.constant 0 : index
    %get3A_0 = arith.constant 0 : index
    %get3A_1 = vector.load %arg0[%get3A, %get3A_0] : memref<10000x128xf32, #tpu.memory_space<vmem>>, vector<10000x128xf32>
    %get3A_2 = arith.constant 0 : index
    %get3A_3 = arith.constant 0 : index
    %get3A_4 = vector.load %arg1[%get3A_2, %get3A_3] : memref<128x16xf32, #tpu.memory_space<vmem>>, vector<128x16xf32>
    %dot_general3A = arith.constant dense<0.000000e+00> : vector<10000x16xf32>
    %dot_general3A_5 = tpu.matmul %get3A_1, %get3A_4, %dot_general3A {dimension_numbers = #tpu.dot_dimension_numbers<[1], [0], [0], [1], [0, 0, 1, 1], [], []>, transpose_lhs_hint = false} : vector<10000x128xf32>, vector<128x16xf32>, vector<10000x16xf32> -> vector<10000x16xf32>
    %swap3A = arith.constant 0 : index
    %swap3A_6 = arith.constant 0 : index
    %swap3A_7 = vector.load %arg2[%swap3A, %swap3A_6] : memref<10000x16xf32, #tpu.memory_space<vmem>>, vector<10000x16xf32>
    tpu.vector_store %arg2[%swap3A, %swap3A_6], %dot_general3A_5 {strides = array<i32>} : memref<10000x16xf32, #tpu.memory_space<vmem>>, vector<10000x16xf32>,
    return
  }
}

module attributes {stable_mosaic.version = 14 : i64} {
  func.func @_mid_body(%arg0: memref<1250x128xf32, #tpu.memory_space<vmem>>, %arg1: memref<2x1280x128xf32, #tpu.memory_space<vmem>>, %arg2: memref<1x1xf32, #tpu.memory_space<vmem>>, %arg3: memref<128x128xf32, #tpu.memory_space<vmem>>, %arg4: memref<1x128xf32, #tpu.memory_space<vmem>>, %arg5: memref<1x128xf32, #tpu.memory_space<vmem>>, %arg6: memref<1x128xf32, #tpu.memory_space<vmem>>, %arg7: memref<1x128xf32, #tpu.memory_space<vmem>>, %arg8: memref<128x128xf32, #tpu.memory_space<vmem>>, %arg9: memref<128x128xf32, #tpu.memory_space<vmem>>, %arg10: memref<1250x128xf32, #tpu.memory_space<vmem>>) attributes {dimension_semantics = [], scalar_prefetch = 0 : i64, scratch_operands = 0 : i64, tpu.core_type = #tpu.core_type<tc>} {
    %get3A = arith.constant 0 : index
    %get3A_0 = arith.constant 0 : index
    %get3A_1 = vector.load %arg2[%get3A, %get3A_0] : memref<1x1xf32, #tpu.memory_space<vmem>>, vector<1x1xf32>
    %get3A_2 = vector.extract %get3A_1[0, 0] : f32 from vector<1x1xf32>
    %get3A_3 = arith.constant 0 : index
    %get3A_4 = arith.constant 0 : index
    %get3A_5 = vector.load %arg0[%get3A_3, %get3A_4] : memref<1250x128xf32, #tpu.memory_space<vmem>>, vector<1250x128xf32>
    %mul3A = vector.broadcast %get3A_2 : f32 to vector<1250x128xf32>
    %mul3A_6 = arith.mulf %mul3A, %get3A_5 : vector<1250x128xf32>
    %get3A_7 = arith.constant 0 : index
    %get3A_8 = arith.constant 0 : index
    %get3A_9 = arith.constant 0 : index
    %get3A_10 = vector.load %arg1[%get3A_7, %get3A_8, %get3A_9] : memref<2x1280x128xf32, #tpu.memory_space<vmem>>, vector<1x1250x128xf32>
    %get3A_11 = vector.shape_cast %get3A_10 : vector<1x1250x128xf32> to vector<1250x128xf32>
    %add3A = arith.addf %mul3A_6, %get3A_11 : vector<1250x128xf32>
    %get3A_12 = arith.constant 1 : index
    %get3A_13 = arith.constant 0 : index
    %get3A_14 = arith.constant 0 : index
    %get3A_15 = vector.load %arg1[%get3A_12, %get3A_13, %get3A_14] : memref<2x1280x128xf32, #tpu.memory_space<vmem>>, vector<1x1250x128xf32>
    %get3A_16 = vector.shape_cast %get3A_15 : vector<1x1250x128xf32> to vector<1250x128xf32>
    %add3A_17 = arith.addf %add3A, %get3A_16 : vector<1250x128xf32>
    %get3A_18 = arith.constant 0 : index
    %get3A_19 = arith.constant 0 : index
    %get3A_20 = vector.load %arg4[%get3A_18, %get3A_19] : memref<1x128xf32, #tpu.memory_space<vmem>>, vector<1x128xf32>
    %add3A_21 = vector.broadcast %get3A_20 : vector<1x128xf32> to vector<1250x128xf32>
    %add3A_22 = arith.addf %add3A_17, %add3A_21 : vector<1250x128xf32>
    %max3A = arith.constant 0.000000e+00 : f32
    %max3A_23 = vector.broadcast %max3A : f32 to vector<1250x128xf32>
    %max3A_24 = arith.maximumf %add3A_22, %max3A_23 : vector<1250x128xf32>
    %get3A_25 = arith.constant 0 : index
    %get3A_26 = arith.constant 0 : index
    %get3A_27 = vector.load %arg3[%get3A_25, %get3A_26] : memref<128x128xf32, #tpu.memory_space<vmem>>, vector<128x128xf32>
    %dot_general3A = arith.constant dense<0.000000e+00> : vector<1250x128xf32>
    %dot_general3A_28 = tpu.matmul %max3A_24, %get3A_27, %dot_general3A {dimension_numbers = #tpu.dot_dimension_numbers<[1], [0], [0], [1], [0, 0, 1, 1], [], []>, transpose_lhs_hint = false} : vector<1250x128xf32>, vector<128x128xf32>, vector<1250x128xf32> -> vector<1250x128xf32>
    %get3A_29 = arith.constant 0 : index
    %get3A_30 = arith.constant 0 : index
    %get3A_31 = vector.load %arg5[%get3A_29, %get3A_30] : memref<1x128xf32, #tpu.memory_space<vmem>>, vector<1x128xf32>
    %add3A_32 = vector.broadcast %get3A_31 : vector<1x128xf32> to vector<1250x128xf32>
    %add3A_33 = arith.addf %dot_general3A_28, %add3A_32 : vector<1250x128xf32>
    %max3A_34 = arith.constant 0.000000e+00 : f32
    %max3A_35 = vector.broadcast %max3A_34 : f32 to vector<1250x128xf32>
    %max3A_36 = arith.maximumf %add3A_33, %max3A_35 : vector<1250x128xf32>
    %reduce_sum3A = arith.constant dense<0.000000e+00> : vector<128xf32>
    %reduce_sum3A_37 = vector.multi_reduction <add>, %max3A_36, %reduce_sum3A [0] : vector<1250x128xf32> to vector<128xf32>
    %broadcast_in_dim3A = vector.shape_cast %reduce_sum3A_37 : vector<128xf32> to vector<1x128xf32>
    %get3A_38 = arith.constant 0 : index
    %get3A_39 = arith.constant 0 : index
    %get3A_40 = vector.load %arg9[%get3A_38, %get3A_39] : memref<128x128xf32, #tpu.memory_space<vmem>>, vector<128x128xf32>
    %dot_general3A_41 = arith.constant dense<0.000000e+00> : vector<1x128xf32>
    %dot_general3A_42 = tpu.matmul %broadcast_in_dim3A, %get3A_40, %dot_general3A_41 {dimension_numbers = #tpu.dot_dimension_numbers<[1], [0], [0], [1], [0, 0, 1, 1], [], []>, transpose_lhs_hint = false} : vector<1x128xf32>, vector<128x128xf32>, vector<1x128xf32> -> vector<1x128xf32>
    %div3A = arith.constant 1.000000e+04 : f32
    %div3A_43 = vector.broadcast %div3A : f32 to vector<1x128xf32>
    %div3A_44 = arith.divf %dot_general3A_42, %div3A_43 : vector<1x128xf32>
    %sub3A = vector.broadcast %div3A_44 : vector<1x128xf32> to vector<1250x128xf32>
    %sub3A_45 = arith.subf %max3A_36, %sub3A : vector<1250x128xf32>
    %mul3A_46 = arith.mulf %sub3A_45, %sub3A_45 : vector<1250x128xf32>
    %reduce_sum3A_47 = arith.constant dense<0.000000e+00> : vector<128xf32>
    %reduce_sum3A_48 = vector.multi_reduction <add>, %mul3A_46, %reduce_sum3A_47 [0] : vector<1250x128xf32> to vector<128xf32>
    %broadcast_in_dim3A_49 = vector.shape_cast %reduce_sum3A_48 : vector<128xf32> to vector<1x128xf32>
    %get3A_50 = arith.constant 0 : index
    %get3A_51 = arith.constant 0 : index
    %get3A_52 = vector.load %arg9[%get3A_50, %get3A_51] : memref<128x128xf32, #tpu.memory_space<vmem>>, vector<128x128xf32>
    %dot_general3A_53 = arith.constant dense<0.000000e+00> : vector<1x128xf32>
    %dot_general3A_54 = tpu.matmul %broadcast_in_dim3A_49, %get3A_52, %dot_general3A_53 {dimension_numbers = #tpu.dot_dimension_numbers<[1], [0], [0], [1], [0, 0, 1, 1], [], []>, transpose_lhs_hint = false} : vector<1x128xf32>, vector<128x128xf32>, vector<1x128xf32> -> vector<1x128xf32>
    %div3A_55 = arith.constant 1.000000e+04 : f32
    %div3A_56 = vector.broadcast %div3A_55 : f32 to vector<1x128xf32>
    %div3A_57 = arith.divf %dot_general3A_54, %div3A_56 : vector<1x128xf32>
    %get3A_58 = arith.constant 0 : index
    %get3A_59 = arith.constant 0 : index
    %get3A_60 = vector.load %arg6[%get3A_58, %get3A_59] : memref<1x128xf32, #tpu.memory_space<vmem>>, vector<1x128xf32>
    %mul3A_61 = vector.broadcast %get3A_60 : vector<1x128xf32> to vector<1250x128xf32>
    %mul3A_62 = arith.mulf %mul3A_61, %sub3A_45 : vector<1250x128xf32>
    %add3A_63 = arith.constant 9.99999974E-6 : f32
    %add3A_64 = vector.broadcast %add3A_63 : f32 to vector<1x128xf32>
    %add3A_65 = arith.addf %div3A_57, %add3A_64 : vector<1x128xf32>
    %rsqrt3A = math.rsqrt %add3A_65 : vector<1x128xf32>
    %mul3A_66 = vector.broadcast %rsqrt3A : vector<1x128xf32> to vector<1250x128xf32>
    %mul3A_67 = arith.mulf %mul3A_62, %mul3A_66 : vector<1250x128xf32>
    %get3A_68 = arith.constant 0 : index
    %get3A_69 = arith.constant 0 : index
    %get3A_70 = vector.load %arg7[%get3A_68, %get3A_69] : memref<1x128xf32, #tpu.memory_space<vmem>>, vector<1x128xf32>
    %add3A_71 = vector.broadcast %get3A_70 : vector<1x128xf32> to vector<1250x128xf32>
    %add3A_72 = arith.addf %mul3A_67, %add3A_71 : vector<1250x128xf32>
    %get3A_73 = arith.constant 0 : index
    %get3A_74 = arith.constant 0 : index
    %get3A_75 = vector.load %arg8[%get3A_73, %get3A_74] : memref<128x128xf32, #tpu.memory_space<vmem>>, vector<128x128xf32>
    %dot_general3A_76 = arith.constant dense<0.000000e+00> : vector<1250x128xf32>
    %dot_general3A_77 = tpu.matmul %add3A_72, %get3A_75, %dot_general3A_76 {dimension_numbers = #tpu.dot_dimension_numbers<[1], [0], [0], [1], [0, 0, 1, 1], [], []>, transpose_lhs_hint = false} : vector<1250x128xf32>, vector<128x128xf32>, vector<1250x128xf32> -> vector<1250x128xf32>
    %swap3A = arith.constant 0 : index
    %swap3A_78 = arith.constant 0 : index
    %swap3A_79 = vector.load %arg10[%swap3A, %swap3A_78] : memref<1250x128xf32, #tpu.memory_space<vmem>>, vector<1250x128xf32>
    tpu.vector_store %arg10[%swap3A, %swap3A_78], %dot_general3A_77 {strides = array<i32>} : memref<1250x128xf32, #tpu.memory_space<vmem>>, vector<1250x128xf32>,
    return
  }
}

module attributes {stable_mosaic.version = 14 : i64} {
  func.func @_final_body(%arg0: memref<1250x128xf32, #tpu.memory_space<vmem>>, %arg1: memref<2x1280x128xf32, #tpu.memory_space<vmem>>, %arg2: memref<1x1xf32, #tpu.memory_space<vmem>>, %arg3: memref<128x128xf32, #tpu.memory_space<vmem>>, %arg4: memref<1x128xf32, #tpu.memory_space<vmem>>, %arg5: memref<1x128xf32, #tpu.memory_space<vmem>>, %arg6: memref<1x128xf32, #tpu.memory_space<vmem>>, %arg7: memref<1x128xf32, #tpu.memory_space<vmem>>, %arg8: memref<128x128xf32, #tpu.memory_space<vmem>>, %arg9: memref<128x320xf32, #tpu.memory_space<vmem>>, %arg10: memref<1x320xf32, #tpu.memory_space<vmem>>, %arg11: memref<320x320xf32, #tpu.memory_space<vmem>>, %arg12: memref<1250x320xf32, #tpu.memory_space<vmem>>) attributes {dimension_semantics = [], scalar_prefetch = 0 : i64, scratch_operands = 0 : i64, tpu.core_type = #tpu.core_type<tc>} {
    %get3A = arith.constant 0 : index
    %get3A_0 = arith.constant 0 : index
    %get3A_1 = vector.load %arg2[%get3A, %get3A_0] : memref<1x1xf32, #tpu.memory_space<vmem>>, vector<1x1xf32>
    %get3A_2 = vector.extract %get3A_1[0, 0] : f32 from vector<1x1xf32>
    %get3A_3 = arith.constant 0 : index
    %get3A_4 = arith.constant 0 : index
    %get3A_5 = vector.load %arg0[%get3A_3, %get3A_4] : memref<1250x128xf32, #tpu.memory_space<vmem>>, vector<1250x128xf32>
    %mul3A = vector.broadcast %get3A_2 : f32 to vector<1250x128xf32>
    %mul3A_6 = arith.mulf %mul3A, %get3A_5 : vector<1250x128xf32>
    %get3A_7 = arith.constant 0 : index
    %get3A_8 = arith.constant 0 : index
    %get3A_9 = arith.constant 0 : index
    %get3A_10 = vector.load %arg1[%get3A_7, %get3A_8, %get3A_9] : memref<2x1280x128xf32, #tpu.memory_space<vmem>>, vector<1x1250x128xf32>
    %get3A_11 = vector.shape_cast %get3A_10 : vector<1x1250x128xf32> to vector<1250x128xf32>
    %add3A = arith.addf %mul3A_6, %get3A_11 : vector<1250x128xf32>
    %get3A_12 = arith.constant 1 : index
    %get3A_13 = arith.constant 0 : index
    %get3A_14 = arith.constant 0 : index
    %get3A_15 = vector.load %arg1[%get3A_12, %get3A_13, %get3A_14] : memref<2x1280x128xf32, #tpu.memory_space<vmem>>, vector<1x1250x128xf32>
    %get3A_16 = vector.shape_cast %get3A_15 : vector<1x1250x128xf32> to vector<1250x128xf32>
    %add3A_17 = arith.addf %add3A, %get3A_16 : vector<1250x128xf32>
    %get3A_18 = arith.constant 0 : index
    %get3A_19 = arith.constant 0 : index
    %get3A_20 = vector.load %arg4[%get3A_18, %get3A_19] : memref<1x128xf32, #tpu.memory_space<vmem>>, vector<1x128xf32>
    %add3A_21 = vector.broadcast %get3A_20 : vector<1x128xf32> to vector<1250x128xf32>
    %add3A_22 = arith.addf %add3A_17, %add3A_21 : vector<1250x128xf32>
    %max3A = arith.constant 0.000000e+00 : f32
    %max3A_23 = vector.broadcast %max3A : f32 to vector<1250x128xf32>
    %max3A_24 = arith.maximumf %add3A_22, %max3A_23 : vector<1250x128xf32>
    %get3A_25 = arith.constant 0 : index
    %get3A_26 = arith.constant 0 : index
    %get3A_27 = vector.load %arg3[%get3A_25, %get3A_26] : memref<128x128xf32, #tpu.memory_space<vmem>>, vector<128x128xf32>
    %dot_general3A = arith.constant dense<0.000000e+00> : vector<1250x128xf32>
    %dot_general3A_28 = tpu.matmul %max3A_24, %get3A_27, %dot_general3A {dimension_numbers = #tpu.dot_dimension_numbers<[1], [0], [0], [1], [0, 0, 1, 1], [], []>, transpose_lhs_hint = false} : vector<1250x128xf32>, vector<128x128xf32>, vector<1250x128xf32> -> vector<1250x128xf32>
    %get3A_29 = arith.constant 0 : index
    %get3A_30 = arith.constant 0 : index
    %get3A_31 = vector.load %arg5[%get3A_29, %get3A_30] : memref<1x128xf32, #tpu.memory_space<vmem>>, vector<1x128xf32>
    %add3A_32 = vector.broadcast %get3A_31 : vector<1x128xf32> to vector<1250x128xf32>
    %add3A_33 = arith.addf %dot_general3A_28, %add3A_32 : vector<1250x128xf32>
    %max3A_34 = arith.constant 0.000000e+00 : f32
    %max3A_35 = vector.broadcast %max3A_34 : f32 to vector<1250x128xf32>
    %max3A_36 = arith.maximumf %add3A_33, %max3A_35 : vector<1250x128xf32>
    %reduce_sum3A = arith.constant dense<0.000000e+00> : vector<128xf32>
    %reduce_sum3A_37 = vector.multi_reduction <add>, %max3A_36, %reduce_sum3A [0] : vector<1250x128xf32> to vector<128xf32>
    %broadcast_in_dim3A = vector.shape_cast %reduce_sum3A_37 : vector<128xf32> to vector<1x128xf32>
    %get3A_38 = arith.constant 0 : index
    %get3A_39 = arith.constant 0 : index
    %get3A_40 = vector.load %arg8[%get3A_38, %get3A_39] : memref<128x128xf32, #tpu.memory_space<vmem>>, vector<128x128xf32>
    %dot_general3A_41 = arith.constant dense<0.000000e+00> : vector<1x128xf32>
    %dot_general3A_42 = tpu.matmul %broadcast_in_dim3A, %get3A_40, %dot_general3A_41 {dimension_numbers = #tpu.dot_dimension_numbers<[1], [0], [0], [1], [0, 0, 1, 1], [], []>, transpose_lhs_hint = false} : vector<1x128xf32>, vector<128x128xf32>, vector<1x128xf32> -> vector<1x128xf32>
    %div3A = arith.constant 1.000000e+04 : f32
    %div3A_43 = vector.broadcast %div3A : f32 to vector<1x128xf32>
    %div3A_44 = arith.divf %dot_general3A_42, %div3A_43 : vector<1x128xf32>
    %sub3A = vector.broadcast %div3A_44 : vector<1x128xf32> to vector<1250x128xf32>
    %sub3A_45 = arith.subf %max3A_36, %sub3A : vector<1250x128xf32>
    %mul3A_46 = arith.mulf %sub3A_45, %sub3A_45 : vector<1250x128xf32>
    %reduce_sum3A_47 = arith.constant dense<0.000000e+00> : vector<128xf32>
    %reduce_sum3A_48 = vector.multi_reduction <add>, %mul3A_46, %reduce_sum3A_47 [0] : vector<1250x128xf32> to vector<128xf32>
    %broadcast_in_dim3A_49 = vector.shape_cast %reduce_sum3A_48 : vector<128xf32> to vector<1x128xf32>
    %get3A_50 = arith.constant 0 : index
    %get3A_51 = arith.constant 0 : index
    %get3A_52 = vector.load %arg8[%get3A_50, %get3A_51] : memref<128x128xf32, #tpu.memory_space<vmem>>, vector<128x128xf32>
    %dot_general3A_53 = arith.constant dense<0.000000e+00> : vector<1x128xf32>
    %dot_general3A_54 = tpu.matmul %broadcast_in_dim3A_49, %get3A_52, %dot_general3A_53 {dimension_numbers = #tpu.dot_dimension_numbers<[1], [0], [0], [1], [0, 0, 1, 1], [], []>, transpose_lhs_hint = false} : vector<1x128xf32>, vector<128x128xf32>, vector<1x128xf32> -> vector<1x128xf32>
    %div3A_55 = arith.constant 1.000000e+04 : f32
    %div3A_56 = vector.broadcast %div3A_55 : f32 to vector<1x128xf32>
    %div3A_57 = arith.divf %dot_general3A_54, %div3A_56 : vector<1x128xf32>
    %get3A_58 = arith.constant 0 : index
    %get3A_59 = arith.constant 0 : index
    %get3A_60 = vector.load %arg6[%get3A_58, %get3A_59] : memref<1x128xf32, #tpu.memory_space<vmem>>, vector<1x128xf32>
    %mul3A_61 = vector.broadcast %get3A_60 : vector<1x128xf32> to vector<1250x128xf32>
    %mul3A_62 = arith.mulf %mul3A_61, %sub3A_45 : vector<1250x128xf32>
    %add3A_63 = arith.constant 9.99999974E-6 : f32
    %add3A_64 = vector.broadcast %add3A_63 : f32 to vector<1x128xf32>
    %add3A_65 = arith.addf %div3A_57, %add3A_64 : vector<1x128xf32>
    %rsqrt3A = math.rsqrt %add3A_65 : vector<1x128xf32>
    %mul3A_66 = vector.broadcast %rsqrt3A : vector<1x128xf32> to vector<1250x128xf32>
    %mul3A_67 = arith.mulf %mul3A_62, %mul3A_66 : vector<1250x128xf32>
    %get3A_68 = arith.constant 0 : index
    %get3A_69 = arith.constant 0 : index
    %get3A_70 = vector.load %arg7[%get3A_68, %get3A_69] : memref<1x128xf32, #tpu.memory_space<vmem>>, vector<1x128xf32>
    %add3A_71 = vector.broadcast %get3A_70 : vector<1x128xf32> to vector<1250x128xf32>
    %add3A_72 = arith.addf %mul3A_67, %add3A_71 : vector<1250x128xf32>
    %get3A_73 = arith.constant 0 : index
    %get3A_74 = arith.constant 0 : index
    %get3A_75 = vector.load %arg9[%get3A_73, %get3A_74] : memref<128x320xf32, #tpu.memory_space<vmem>>, vector<128x320xf32>
    %dot_general3A_76 = arith.constant dense<0.000000e+00> : vector<1250x320xf32>
    %dot_general3A_77 = tpu.matmul %add3A_72, %get3A_75, %dot_general3A_76 {dimension_numbers = #tpu.dot_dimension_numbers<[1], [0], [0], [1], [0, 0, 1, 1], [], []>, transpose_lhs_hint = false} : vector<1250x128xf32>, vector<128x320xf32>, vector<1250x320xf32> -> vector<1250x320xf32>
    %get3A_78 = arith.constant 0 : index
    %get3A_79 = arith.constant 0 : index
    %get3A_80 = vector.load %arg10[%get3A_78, %get3A_79] : memref<1x320xf32, #tpu.memory_space<vmem>>, vector<1x320xf32>
    %add3A_81 = vector.broadcast %get3A_80 : vector<1x320xf32> to vector<1250x320xf32>
    %add3A_82 = arith.addf %dot_general3A_77, %add3A_81 : vector<1250x320xf32>
    %reduce_max3A = arith.constant dense<0xFF800000> : vector<1250xf32>
    %reduce_max3A_83 = vector.multi_reduction <maximumf>, %add3A_82, %reduce_max3A [1] : vector<1250x320xf32> to vector<1250xf32>
    %broadcast_in_dim3A_84 = vector.shape_cast %reduce_max3A_83 : vector<1250xf32> to vector<1250x1xf32>
    %sub3A_85 = vector.broadcast %broadcast_in_dim3A_84 : vector<1250x1xf32> to vector<1250x320xf32>
    %sub3A_86 = arith.subf %add3A_82, %sub3A_85 : vector<1250x320xf32>
    %exp3A = math.exp %sub3A_86 : vector<1250x320xf32>
    %get3A_87 = arith.constant 0 : index
    %get3A_88 = arith.constant 0 : index
    %get3A_89 = vector.load %arg11[%get3A_87, %get3A_88] : memref<320x320xf32, #tpu.memory_space<vmem>>, vector<320x320xf32>
    %dot_general3A_90 = arith.constant dense<0.000000e+00> : vector<1250x320xf32>
    %dot_general3A_91 = tpu.matmul %exp3A, %get3A_89, %dot_general3A_90 {dimension_numbers = #tpu.dot_dimension_numbers<[1], [0], [0], [1], [0, 0, 1, 1], [], []>, transpose_lhs_hint = false} : vector<1250x320xf32>, vector<320x320xf32>, vector<1250x320xf32> -> vector<1250x320xf32>
    %sub3A_92 = vector.broadcast %broadcast_in_dim3A_84 : vector<1250x1xf32> to vector<1250x320xf32>
    %sub3A_93 = arith.subf %add3A_82, %sub3A_92 : vector<1250x320xf32>
    %log3A = math.log %dot_general3A_91 : vector<1250x320xf32>
    %sub3A_94 = arith.subf %sub3A_93, %log3A : vector<1250x320xf32>
    %swap3A = arith.constant 0 : index
    %swap3A_95 = arith.constant 0 : index
    %swap3A_96 = vector.load %arg12[%swap3A, %swap3A_95] : memref<1250x320xf32, #tpu.memory_space<vmem>>, vector<1250x320xf32>
    tpu.vector_store %arg12[%swap3A, %swap3A_95], %sub3A_94 {strides = array<i32>} : memref<1250x320xf32, #tpu.memory_space<vmem>>, vector<1250x320xf32>,
    return
  }
}

</mosaic_0001>

<sc_bundles>
// kernel: kernel.10.cloned.1.call-start
scs
__scs_entry_jumppad:
0x0: {  	(pc) =	sbr.rel $0x88, $3  }
0x1: {  	(tag) =	ssettag $0x0;
	lr =	simm.s32 $0x1  }
0x2: {  	[smem:$0x3F8F] =	sst lr;
	_ =	strace $0xD0000000  }
0x3: {  	_ = 	snop  }
0x4: {  	_ = 	snop  }
0x5: {  	_ = 	snop  }
0x6: {  	_ = 	snop  }
0x7: {  	_ = 	snop  }
__scs_overlays_trampoline_lowered:
0x8: {  	[smem:$0x3F9E] =	sst s0  }
0x9: {  	[smem:$0x3F9F] =	sst s1  }
0xa: {  	[smem:$0x3FA0] =	sst s2  }
0xb: {  	[smem:$0x3FA1] =	sst s3  }
0xc: {  	[smem:$0x3FA2] =	sst s4  }
0xd: {  	[smem:$0x3FA3] =	sst s5  }
0xe: {  	[smem:$0x3FA4] =	sst s6  }
0xf: {  	[smem:$0x3FA5] =	sst s7  }
0x10: {  	[smem:$0x3FA6] =	sst s8  }
0x11: {  	[smem:$0x3FA7] =	sst s9;
	s0 =	simm.s32 @!p0 $0x0  }
0x12: {  	s1 =	sld [smem:$0x3F8D];
	s0 =	simm.s32 @p0 $0x1  }
0x13: {  	[smem:$0x3FA8] =	sst s0;
	s0 =	simm.s32 @!p1 $0x0  }
0x14: {  	s2 =	sld [smem:$0x3F8C];
	s0 =	simm.s32 @p1 $0x1  }
0x15: {  	[smem:$0x3FA9] =	sst s0;
	s0 =	simm.s32 @!p2 $0x0  }
0x16: {  	s3 =	sld [smem:$0x3FDB];
	s0 =	simm.s32 @p2 $0x1  }
0x17: {  	s4 =	simm.s32 $0x1BF5;
	[smem:$0x3FAB] =	sst s0  }
0x18: {  	s0 =	sld [smem:$0x3F8E];
	_ =	swait.ge [sflag:s4], $0x0  }
0x19: {  	s7 =	sld [smem:$0x3F8F]  }
0x1a: {  	s8 =	sadd.s32 $0xFFFFE003, lr  }
0x1b: {  	s9 =	sadd.s32 $0xFFFFFEF7, lr;
	s5 =	simm.s32 $0xFFFFFFFF;
	p2 =	slt.u32 s8, $0xFFFFF086  }
0x1c: {  	p1 =	slt.u32 s9, $0xF7A;
	s5 =	simm.s32 @!p2 $0x0  }
0x1d: {  	s5 =	simm.s32 @p1 $0x1;
	p0 =	seq.s32 s7, s2  }
0x1e: {  	s7 =	smul.u32 @!p0 $0xF7A, s2;
	p2 =	seq.s32 @!p0 s5, $0x0  }
0x1f: {  	s9 =	smul.u32 $0xF7A, s1;
	s8 =	simm.s32 @!p0 $0x1BF5;
	p2 =	por !p2, p0  }
0x20: {  	[sflag:s8] =	ssyncset.s32 @!p0 $0xFFFFF086;
	s6 =	sadd.s32 @!p0 s3, s7;
	s7 =	simm.s32 @!p0 $0x108  }
0x21: {  	s3 =	sadd.s32 s3, s9;
	s6 =	sadd.s32 @!p0 $0x88, s6;
	s7 =	simm.s32 @p2 $0x1082  }
0x22: {  	[simem:s7], [sflag:s8] =	dma.local @!p0 [hbm:s6], $0xF7A  }
0x23: {  	s9 =	sor.u32 $0xD0000000, s2;
	s6 =	simm.s32 $0x108;
	_ =	swait.ge @!p0 [sflag:s8], $0x0  }
0x24: {  	s3 =	sadd.s32 $0x88, s3;
	s6 =	simm.s32 @!p1 $0x1082;
	[sflag:s4] =	ssyncset.s32 $0xFFFFF086  }
0x25: {  	[simem:s6], [sflag:s4] =	dma.local [hbm:s3], $0xF7A  }
0x26: {  	[smem:$0x3F8F] =	sst s1;
	(tag) =	ssettag s2;
	_ =	strace s9  }
0x27: {  	s1 =	sld [smem:$0x3F9F]  }
0x28: {  	s2 =	sld [smem:$0x3FA0]  }
0x29: {  	s4 =	sld [smem:$0x3FA2]  }
0x2a: {  	p0 =	seq.s32 s5, $0x0;
	s5 =	sld [smem:$0x3FA3]  }
0x2b: {  	s6 =	sld [smem:$0x3FA4]  }
0x2c: {  	s7 =	sld [smem:$0x3FA5]  }
0x2d: {  	s3 =	simm.s32 $0x108;
	s8 =	sld [smem:$0x3FA6]  }
0x2e: {  	s3 =	simm.s32 @!p0 $0x1082;
	s9 =	sld [smem:$0x3FA7]  }
0x2f: {  	lr =	sadd.s32 s0, s3;
	s0 =	sld [smem:$0x3F9E]  }
0x30: {  	s3 =	sld [smem:$0x3FA1]  }
0x31: {  	[smem:$0x3FAA] =	sst s10  }
0x32: {  	s10 =	sld [smem:$0x3FA8];
	_ =	sdelay $0x3  }
0x33: {  	p0 =	seq.s32 s10, $0x1;
	s10 =	sld [smem:$0x3FAA];
	_ =	sdelay $0x3  }
0x34: {  	[smem:$0x3FAA] =	sst s10  }
0x35: {  	s10 =	sld [smem:$0x3FA9];
	_ =	sdelay $0x3  }
0x36: {  	p1 =	seq.s32 s10, $0x1;
	s10 =	sld [smem:$0x3FAA];
	_ =	sdelay $0x3  }
0x37: {  	[smem:$0x3FAA] =	sst s10  }
0x38: {  	s10 =	sld [smem:$0x3FAB]  }
0x39: {  	_ = 	snop;
	(pc) =	sbr.ind lr, $3  }
0x3a: {  	_ = 	snop  }
0x3b: {  	_ = 	snop  }
0x3c: {  	p2 =	seq.s32 s10, $0x1;
	s10 =	sld [smem:$0x3FAA]  }
0x3d: {  	_ =	shalt  }
0x3e: {  	_ =	shalt  }
0x3f: {  	_ =	shalt  }
0x40: {  	_ =	shalt  }
0x41: {  	_ =	shalt  }
0x42: {  	_ =	shalt  }
0x43: {  	_ =	shalt  }
0x44: {  	_ =	shalt  }
0x45: {  	_ =	shalt  }
0x46: {  	_ =	shalt  }
0x47: {  	_ =	shalt  }
0x48: {  	_ =	shalt  }
0x49: {  	_ =	shalt  }
0x4a: {  	_ =	shalt  }
0x4b: {  	_ =	shalt  }
0x4c: {  	_ =	shalt  }
0x4d: {  	_ =	shalt  }
0x4e: {  	_ =	shalt  }
0x4f: {  	_ =	shalt  }
0x50: {  	_ =	shalt  }
0x51: {  	_ =	shalt  }
0x52: {  	_ =	shalt  }
0x53: {  	_ =	shalt  }
0x54: {  	_ =	shalt  }
0x55: {  	_ =	shalt  }
0x56: {  	_ =	shalt  }
0x57: {  	_ =	shalt  }
0x58: {  	_ =	shalt  }
0x59: {  	_ =	shalt  }
0x5a: {  	_ =	shalt  }
0x5b: {  	_ =	shalt  }
0x5c: {  	_ =	shalt  }
0x5d: {  	_ =	shalt  }
0x5e: {  	_ =	shalt  }
0x5f: {  	_ =	shalt  }
0x60: {  	_ =	shalt  }
0x61: {  	_ =	shalt  }
0x62: {  	_ =	shalt  }
0x63: {  	_ =	shalt  }
0x64: {  	_ =	shalt  }
0x65: {  	_ =	shalt  }
0x66: {  	_ =	shalt  }
0x67: {  	_ =	shalt  }
0x68: {  	_ =	shalt  }
0x69: {  	_ =	shalt  }
0x6a: {  	_ =	shalt  }
0x6b: {  	_ =	shalt  }
0x6c: {  	_ =	shalt  }
0x6d: {  	_ =	shalt  }
0x6e: {  	_ =	shalt  }
0x6f: {  	_ =	shalt  }
0x70: {  	_ =	shalt  }
0x71: {  	_ =	shalt  }
0x72: {  	_ =	shalt  }
0x73: {  	_ =	shalt  }
0x74: {  	_ =	shalt  }
0x75: {  	_ =	shalt  }
0x76: {  	_ =	shalt  }
0x77: {  	_ =	shalt  }
0x78: {  	_ =	shalt  }
0x79: {  	_ =	shalt  }
0x7a: {  	_ =	shalt  }
0x7b: {  	_ =	shalt  }
0x7c: {  	_ =	shalt  }
0x7d: {  	_ =	shalt  }
0x7e: {  	_ =	shalt  }
0x7f: {  	_ =	shalt  }
0x80: {  	_ =	shalt  }
0x81: {  	_ =	shalt  }
0x82: {  	_ =	shalt  }
0x83: {  	_ =	shalt  }
0x84: {  	_ =	shalt  }
0x85: {  	_ =	shalt  }
0x86: {  	_ =	shalt  }
0x87: {  	_ =	shalt  }
.Lfunc_end0:
.L_simem_size_0:
called_computation.1_lowered:
.L_overlay_start_0:
0x88: {  	s2 =	sld [smem:$0x3FD9]  }
0x89: {  	s3 =	sld [smem:$0x3FFE];
	_ =	sdelay $0x1  }
0x8a: {  	s1 =	srdreg.scid  }
0x8b: {  	s0 =	sand.u32 $0x1, s1  }
0x8c: {  	s17 =	sshll.u32 s0, $0xA;
	s2 =	sadd.s32 s3, s2  }
0x8d: {  	s2 =	sadd.s32 s2, s17  }
0x8e: {  	[smem:$0x3FB6] =	sst s2  }
0x8f: {  	_ = 	snop  }
0x90: {  	s2 =	sld [smem:$0x3FD0];
	(tm) =	ssettm $0x1  }
0x91: {  	s18 =	sld [smem:$0x3FFB];
	_ =	sdelay $0x3  }
0x92: {  	_ =	strace s18  }
0x93: {  	s3 =	sld [smem:$0x3FFC];
	_ =	sdelay $0x3  }
0x94: {  	_ =	strace s3  }
0x95: {  	s3 =	sld [smem:$0x3FFD];
	_ =	sdelay $0x3  }
0x96: {  	_ =	strace s3  }
0x97: {  	_ =	strace $0x8FFFFFFF  }
0x98: {  	s19 =	sld [smem:$0x3FDB];
	_ =	sdelay $0x1  }
0x99: {  	s4 =	simm.s32 $_scs_section_size  }
0x9a: {  	s5 =	simm.s32 $_size__tile_overlayer_lowered;
	s6 =	simm.s32 $_tile_overlayer_lowered  }
0x9b: {  	s22 =	simm.s32 $0x1BFF;
	s21 =	sshll.u32 s6, $0x1;
	s3 =	sadd.s32 s4, s19  }
0x9c: {  	s7 =	simm.s32 $0x0;
	s20 =	sshll.u32 s5, $0x1;
	s5 =	sadd.s32 s21, s3  }
0x9d: {  	[timem:s7], [sflag:s22] =	dma.local [hbm:s5], s20  }
0x9e: {  	_ =	swait.ge [sflag:s22], s20  }
0x9f: {  	s4 =	ssub.s32 $0x0, s20;
	[sflag:s22] =	ssyncset.done $0x0  }
0xa0: {  	[sflag:s22] =	ssyncadd.s32 s4;
	_ =	sdelay $0x1  }
0xa1: {  	s23 =	simm.s32 $0x1B8B  }
0xa2: {  	_ =	swait.ge [sflag:s23], $0x1  }
0xa3: {  	[sflag:s23] =	ssyncset.done $0x0  }
0xa4: {  	s25 =	simm.s32 $0x1B8E;
	s24 =	sld [smem:$0x3FFE];
	[sflag:s23] =	ssyncadd.s32 $0xFFFFFFFF  }
0xa5: {  	s26 =	simm.s32 $execute0_lowered;
	[smem:$0x3FD2] =	sst s25  }
0xa6: {  	s5 =	sshll.u32 s26, $0x1;
	_ =	strace $0x80000049;
	[dreg:$0x1] =	wrdreg $0xFFFFFFFF  }
0xa7: {  	s28 =	simm.s32 $_size_execute0_lowered;
	s3 =	sadd.s32 s3, s5;
	[dreg:$0x0] =	wrdreg $0x0  }
0xa8: {  	s5 =	sshll.u32 s28, $0x1;
	[dreg:$0x2] =	wrdreg s3  }
0xa9: {  	[dreg:$0x3] =	wrdreg s5  }
0xaa: {  	[dreg:$0x4] =	wrdreg $0xC0  }
0xab: {  	_ =	task [dreg:s7], $0x5FFFF  }
0xac: {  	[dreg:$0x1] =	wrdreg $0xFFFFFFFF  }
0xad: {  	[dreg:$0x0] =	wrdreg $0x60  }
0xae: {  	[dreg:$0x2] =	wrdreg s24  }
0xaf: {  	[dreg:$0x3] =	wrdreg s2  }
0xb0: {  	[dreg:$0x4] =	wrdreg $0x198200  }
0xb1: {  	[dreg:$0x5] =	wrdreg $0x170200  }
0xb2: {  	[dreg:$0x6] =	wrdreg $0x9  }
0xb3: {  	_ =	task.clear_ibuf [dreg:s7], $0x7FFFF;
	_ =	strace $0x90000049  }
0xb4: {  	s29 =	simm.s32 $0x9;
	_ =	strace $0x8000004B  }
0xb5: {  	_ =	swait.ge [sflag:s29], $0x1  }
0xb6: {  	[sflag:s29] =	ssyncadd.s32 $0xFFFFFFFF  }
0xb7: {  	_ =	strace $0x9000004B  }
0xb8: {  	_ =	sfence  }
0xb9: {  	s30 =	sld [smem:$0x0];
	_ =	sdelay $0x2  }
0xba: {  	s31 =	sshll.u32 s1, $0xD;
	s1 =	sshrl.u32 s1, $0x2  }
0xbb: {  	s3 =	sand.u32 $0x4000, s31;
	s1 =	sadd.s32 s1, s30  }
0xbc: {  	s0 =	sor.u32 s3, s0;
	s1 =	sshll.u32 s1, $0x11  }
0xbd: {  	s0 =	sor.u32 s1, s0  }
0xbe: {  	s0 =	sadd.s32 $0x8F2B, s0  }
0xbf: {  	[sflag:s0] =	ssyncadd.remote.s32 $0x1  }
0xc0: {  	_ =	sfence.sel $0xFFFF  }
0xc1: {  	[dreg:$0x0] =	wrdreg $0xFFFFFFFF;
	(pc) =	sbr.abs _section_cstart, $3  }
0xc2: {  	[dreg:$0x1] =	wrdreg $0xFFFFFFFF  }
0xc3: {  	_ =	task.clear_ibuf [dreg:s7], $0x2FFFF;
	_ =	strace $0x9FFFFFFF  }
0xc4: {  	(tm) =	ssettm $0x7FFFFFFF  }
0xc5: {  	_ =	shalt  }
tec
execute0_lowered:
.L_overlay_start_1:
0x0: {  	(tag) =	ssettag $0x1  }
0x1: {  	s0 =	rddreg [dreg:$0x0]  }
0x2: {  	s2 =	rddreg [dreg:$0x1]  }
0x3: {  	s1 =	rddreg [dreg:$0x2]  }
0x4: {  	s4 =	srdreg.scid;
	s3 =	rddreg [dreg:$0x3]  }
0x5: {  	s14 =	stileid.u32;
	s17 =	simm.s32 $0x5;
	s18 =	simm.s32 $0x1  }
0x6: {  	s19 =	simm.s32 $0x2;
	s20 =	simm.s32 $0x7D0;
	s21 =	simm.s32 $0x4E20  }
0x7: {  	s22 =	simm.s32 $0xCB20;
	s23 =	simm.s32 $0x3;
	s28 =	simm.s32 $0x1770  }
0x8: {  	s29 =	simm.s32 $0x36B0;
	s30 =	simm.s32 $0x1F40;
	s31 =	simm.s32 $0x3E80  }
0x9: {  	s6 =	sand.u32 $0x1, s4;
	s4 =	simm.s32 $0x0;
	s9 =	smul.u32 $0x2800, s14  }
0xa: {  	s13 =	sadd.s32 $0x25800, s1;
	p0 =	seq.s32 s14, $0xF;
	s5 =	sshll.u32 s6, $0x4  }
0xb: {  	[smem:$0x7FF] =	sst s4;
	s8 =	ssub.s32 $0x2, s6;
	s12 =	smul.u32 $0x28000, s6  }
0xc: {  	s13 =	sshrl.u32 @p0 s13, $0x3;
	s5 =	sor.u32 s14, s5;
	_ =	strace $0x8000004A  }
0xd: {  	s7 =	sshrl.u32 s9, $0x3;
	s25 =	sshrl.u32 s8, $0x1;
	s15 =	sadd.s32 s9, s1  }
0xe: {  	s5 =	smul.u32 $0x4E2, s5;
	s7 =	sadd.s32 s7, s0;
	s11 =	ssub.s32 s8, s25  }
0xf: {  	s8 =	sadd.s32 $0x7300, s0;
	s26 =	sadd.s32 s9, s12;
	s9 =	sadd.s32 s9, s3  }
0x10: {  	s12 =	simm.s32 $0x2710;
	s15 =	sshrl.u32 @!p0 s15, $0x3;
	s25 =	simm.s32 $0x4  }
0x11: {  	s7 =	sadd.s32 $0x2800, s7;
	s11 =	smax.u32 s11, $0x1;
	s10 =	sadd.s32 s5, s0  }
0x12: {  	s0 =	sshrl.u32 s26, $0x3;
	s26 =	simm.s32 $0x2EE0;
	s5 =	sadd.s32 $0x11600, s10  }
0x13: {  	s6 =	sadd.s32 $0x7800, s10;
	s10 =	sadd.s32 s2, s0;
	s0 =	sshll.u32 @!p0 s14, $0x6  }
0x14: {  	v0 =	vimm.f32 $0.0e+00;
	s2 =	simm.s32 $0x0;
	s14 =	sor.u32 @!p0 $0x1C05, s0;
	s0 =	simm.s32 $0x4650  }
.LBB2_1:
0x15: {  	[tilespmem:s4], [sflag:$0x1] =	stream.linear.gather [hbm4b:s5+s4], $0x2710, $0x38;
	[tilespmem:$0x1BF30] =	vst v63  }
0x16: {  	s16 =	simm.s32 @p0 $0x1FC5  }
0x17: {  	[tilespmem:s12], [sflag:$0x2] =	stream.linear.gather [hbm4b:s6+s4], $0x2710, $0x38;
	[tilespmem:$0x1BF30] =	vst v63  }
0x18: {  	[spmem:s13], [sflag:s16] =	dma.local @p0 [hbm:s8], $0x320  }
0x19: {  	s16 =	simm.s32 @p0 $0x5  }
0x1a: {  	_ =	swait.ge @p0 [sflag:s16], $0x320  }
0x1b: {  	[sflag:s16] =	ssyncset.done @p0 $0x0  }
0x1c: {  	[sflag:s16] =	ssyncadd.s32 @p0 $0xFFFFFCE0;
	s16 =	simm.s32 @!p0 $0x5  }
0x1d: {  	[spmem:s15], [sflag:s14] =	dma.local @!p0 [hbm:s7], $0x500  }
0x1e: {  	_ =	swait.ge @!p0 [sflag:s16], $0x500  }
0x1f: {  	[sflag:s16] =	ssyncset.done @!p0 $0x0  }
0x20: {  	s24 =	simm.s32 $0x0;
	[sflag:s16] =	ssyncadd.s32 @!p0 $0xFFFFFB00;
	s16 =	simm.s32 $0x40  }
.LBB2_2:
0x21: {  	p1 =	sne.s32 s16, $0x9FC0;
	[tilespmem:s24+$0x14820] =	vst v0;
	s24 =	smov.u32 s16;
	s16 =	sadd.s32 $0x40, s16  }
.Ltmp0:
0x22: {  	(pc) =	sbr.rel @p1 .LBB2_2-.Ltmp0, $2  }
0x23: {  	_ =	sdelay $0x2  }
0x24: {  	s24 =	sshra.s32 s24, $0x2  }
0x25: {  	[tilespmem:s24+$0x14820] =	vst v0;
	s16 =	simm.s32 $0x14820  }
0x26: {  	[spmem:s9] =	stream.linear.scatter [tilespmem:s16], [sflag:$0x5], $0x2800, $0x38;
	[tilespmem:$0x1BF30] =	vst v63  }
0x27: {  	_ =	swait.ge [sflag:s17], $0x2800  }
0x28: {  	[sflag:s17] =	ssyncset.done $0x0  }
0x29: {  	[sflag:s17] =	ssyncadd.s32 $0xFFFFD800  }
0x2a: {  	_ =	swait.ge [sflag:s18], $0x2710  }
0x2b: {  	[sflag:s18] =	ssyncset.done $0x0  }
0x2c: {  	[sflag:s18] =	ssyncadd.s32 $0xFFFFD8F0  }
0x2d: {  	_ =	swait.ge [sflag:s19], $0x2710  }
0x2e: {  	[sflag:s19] =	ssyncset.done $0x0  }
0x2f: {  	[sflag:s19] =	ssyncadd.s32 $0xFFFFD8F0  }
0x30: {  	[bflag:$0x0] =	sbarrier.arrive $0xFFFF  }
0x31: {  	[tilespmem:s21], [sflag:$0x3] =	stream.indirect.gather [spmem:s1], $0x10, s4, s20, $0xb8;
	[tilespmem:$0x1BF30] =	vst v63  }
0x32: {  	_ = 	snop  }
0x33: {  	[tilespmem:s22], [sflag:$0x4] =	stream.indirect.gather [spmem:s1], $0x10, s20, s20, $0xb8;
	[tilespmem:$0x1BF30] =	vst v63  }
0x34: {  	_ =	swait.ge [sflag:s23], $0x7D00  }
0x35: {  	[sflag:s23] =	ssyncset.done $0x0  }
0x36: {  	[sflag:s23] =	ssyncadd.s32 $0xFFFF8300  }
0x37: {  	[spmem:s3] =	stream.indirect.scatter.add.f32 [tilespmem:s21], [sflag:$0x5], $0x10, s12, s20, $0xb8;
	[tilespmem:$0x1BF30] =	vst v63  }
0x38: {  	_ =	swait.ge [sflag:s17], $0x7D00  }
0x39: {  	[sflag:s17] =	ssyncset.done $0x0  }
0x3a: {  	s24 =	simm.s32 $0xFA0;
	[sflag:s17] =	ssyncadd.s32 $0xFFFF8300  }
0x3b: {  	[tilespmem:s21], [sflag:$0x3] =	stream.indirect.gather [spmem:s1], $0x10, s24, s20, $0xb8;
	[tilespmem:$0x1BF30] =	vst v63  }
0x3c: {  	_ =	swait.ge [sflag:s25], $0x7D00  }
0x3d: {  	[sflag:s25] =	ssyncset.done $0x0  }
0x3e: {  	[sflag:s25] =	ssyncadd.s32 $0xFFFF8300  }
0x3f: {  	[spmem:s3] =	stream.indirect.scatter.add.f32 [tilespmem:s22], [sflag:$0x5], $0x10, s26, s20, $0xb8;
	[tilespmem:$0x1BF30] =	vst v63  }
0x40: {  	_ =	swait.ge [sflag:s17], $0x7D00  }
0x41: {  	[sflag:s17] =	ssyncset.done $0x0  }
0x42: {  	[sflag:s17] =	ssyncadd.s32 $0xFFFF8300  }
0x43: {  	[tilespmem:s22], [sflag:$0x4] =	stream.indirect.gather [spmem:s1], $0x10, s28, s20, $0xb8;
	[tilespmem:$0x1BF30] =	vst v63  }
0x44: {  	_ =	swait.ge [sflag:s23], $0x7D00  }
0x45: {  	[sflag:s23] =	ssyncset.done $0x0  }
0x46: {  	[sflag:s23] =	ssyncadd.s32 $0xFFFF8300  }
0x47: {  	[spmem:s3] =	stream.indirect.scatter.add.f32 [tilespmem:s21], [sflag:$0x5], $0x10, s29, s20, $0xb8;
	[tilespmem:$0x1BF30] =	vst v63  }
0x48: {  	_ =	swait.ge [sflag:s17], $0x7D00  }
0x49: {  	[sflag:s17] =	ssyncset.done $0x0  }
0x4a: {  	[sflag:s17] =	ssyncadd.s32 $0xFFFF8300  }
0x4b: {  	[tilespmem:s21], [sflag:$0x3] =	stream.indirect.gather [spmem:s1], $0x10, s30, s20, $0xb8;
	[tilespmem:$0x1BF30] =	vst v63  }
0x4c: {  	_ =	swait.ge [sflag:s25], $0x7D00  }
0x4d: {  	[sflag:s25] =	ssyncset.done $0x0  }
0x4e: {  	[sflag:s25] =	ssyncadd.s32 $0xFFFF8300  }
0x4f: {  	[spmem:s3] =	stream.indirect.scatter.add.f32 [tilespmem:s22], [sflag:$0x5], $0x10, s31, s20, $0xb8;
	[tilespmem:$0x1BF30] =	vst v63  }
0x50: {  	_ =	swait.ge [sflag:s17], $0x7D00  }
0x51: {  	[sflag:s17] =	ssyncset.done $0x0  }
0x52: {  	[sflag:s17] =	ssyncadd.s32 $0xFFFF8300  }
0x53: {  	_ =	swait.ge [sflag:s23], $0x7D00  }
0x54: {  	[sflag:s23] =	ssyncset.done $0x0  }
0x55: {  	[sflag:s23] =	ssyncadd.s32 $0xFFFF8300  }
0x56: {  	[spmem:s3] =	stream.indirect.scatter.add.f32 [tilespmem:s21], [sflag:$0x5], $0x10, s0, s20, $0xb8;
	[tilespmem:$0x1BF30] =	vst v63  }
0x57: {  	s2 =	sadd.s32 $0x1, s2;
	_ =	swait.ge [sflag:s17], $0x7D00  }
0x58: {  	p1 =	sne.s32 s2, s11;
	s24 =	stileid.u32;
	[sflag:s17] =	ssyncset.done $0x0  }
0x59: {  	s16 =	sshll.u32 s24, $0x6;
	s24 =	sshrl.u32 s9, $0x3;
	[sflag:s17] =	ssyncadd.s32 $0xFFFF8300  }
.Ltmp1:
0x5a: {  	s16 =	sor.u32 $0x1C05, s16;
	[bflag:$0x0] =	sbarrier.arrive $0xFFFF;
	(pc) =	sbr.rel @p1 .LBB2_1-.Ltmp1, $4  }
0x5b: {  	[hbm:s10], [sflag:s16] =	dma.local [spmem:s24], $0x500  }
0x5c: {  	_ =	swait.ge [sflag:s17], $0x500  }
0x5d: {  	[sflag:s17] =	ssyncset.done $0x0  }
0x5e: {  	[sflag:s17] =	ssyncadd.s32 $0xFFFFFB00  }
0x5f: {  	_ =	sfence.sel $0x180000  }
0x60: {  	[bflag:$0x0] =	sbarrier.arrive $0xFFFF  }
0x61: {  	_ =	strace $0x9000004A  }
0x62: {  	s0 =	stileid.u32;
	[bflag:$0x2] =	sbarrier.arrive $0xFFFF  }
0x63: {  	p0 =	sne.s32 s0, $0x0;
	s0 =	rddreg [dreg:$0x4]  }
0x64: {  	s0 =	sadd.s32 @!p0 $0x100000, s0  }
0x65: {  	[sflag:s0] =	ssyncadd.tile.s32 @!p0 $0x1;
	_ =	shalt  }
.Lfunc_end2:
_tile_overlayer_lowered:
.L_overlay_start_2:
0x66: {  	(tag) =	ssettag $0x2  }
0x67: {  	s0 =	rddreg [dreg:$0x0];
	s2 =	stileid.u32  }
0x68: {  	s1 =	rddreg [dreg:$0x1];
	p0 =	sne.s32 s2, $0x0  }
0x69: {  	s3 =	rddreg [dreg:$0x2];
	[bflag:$0x3] =	sbarrier.arrive $0xFFFF;
	s2 =	simm.s32 @!p0 $0x1C05  }
0x6a: {  	[timem:s3], [sflag:s2] =	dma.local @!p0 [hbm:s0], s1  }
0x6b: {  	s0 =	simm.s32 @!p0 $0x5  }
0x6c: {  	_ =	swait.ge @!p0 [sflag:s0], s1  }
0x6d: {  	s1 =	ssub.s32 @!p0 $0x0, s1;
	[sflag:s0] =	ssyncset.done @!p0 $0x0  }
0x6e: {  	[sflag:s0] =	ssyncadd.s32 @!p0 s1  }
0x6f: {  	[bflag:$0x3] =	sbarrier.arrive $0xFFFF  }
0x70: {  	_ =	shalt  }

// kernel: kernel.7.cloned.1.call-start
scs
__scs_entry_jumppad:
0x0: {  	(pc) =	sbr.rel $0x88, $3  }
0x1: {  	(tag) =	ssettag $0x0;
	lr =	simm.s32 $0x1  }
0x2: {  	[smem:$0x3F8F] =	sst lr;
	_ =	strace $0xD0000000  }
0x3: {  	_ = 	snop  }
0x4: {  	_ = 	snop  }
0x5: {  	_ = 	snop  }
0x6: {  	_ = 	snop  }
0x7: {  	_ = 	snop  }
__scs_overlays_trampoline_lowered:
0x8: {  	[smem:$0x3F9E] =	sst s0  }
0x9: {  	[smem:$0x3F9F] =	sst s1  }
0xa: {  	[smem:$0x3FA0] =	sst s2  }
0xb: {  	[smem:$0x3FA1] =	sst s3  }
0xc: {  	[smem:$0x3FA2] =	sst s4  }
0xd: {  	[smem:$0x3FA3] =	sst s5  }
0xe: {  	[smem:$0x3FA4] =	sst s6  }
0xf: {  	[smem:$0x3FA5] =	sst s7  }
0x10: {  	[smem:$0x3FA6] =	sst s8  }
0x11: {  	[smem:$0x3FA7] =	sst s9;
	s0 =	simm.s32 @!p0 $0x0  }
0x12: {  	s1 =	sld [smem:$0x3F8D];
	s0 =	simm.s32 @p0 $0x1  }
0x13: {  	[smem:$0x3FA8] =	sst s0;
	s0 =	simm.s32 @!p1 $0x0  }
0x14: {  	s2 =	sld [smem:$0x3F8C];
	s0 =	simm.s32 @p1 $0x1  }
0x15: {  	[smem:$0x3FA9] =	sst s0;
	s0 =	simm.s32 @!p2 $0x0  }
0x16: {  	s3 =	sld [smem:$0x3FDB];
	s0 =	simm.s32 @p2 $0x1  }
0x17: {  	s4 =	simm.s32 $0x1BF5;
	[smem:$0x3FAB] =	sst s0  }
0x18: {  	s0 =	sld [smem:$0x3F8E];
	_ =	swait.ge [sflag:s4], $0x0  }
0x19: {  	s7 =	sld [smem:$0x3F8F]  }
0x1a: {  	s8 =	sadd.s32 $0xFFFFE003, lr  }
0x1b: {  	s9 =	sadd.s32 $0xFFFFFEF7, lr;
	s5 =	simm.s32 $0xFFFFFFFF;
	p2 =	slt.u32 s8, $0xFFFFF086  }
0x1c: {  	p1 =	slt.u32 s9, $0xF7A;
	s5 =	simm.s32 @!p2 $0x0  }
0x1d: {  	s5 =	simm.s32 @p1 $0x1;
	p0 =	seq.s32 s7, s2  }
0x1e: {  	s7 =	smul.u32 @!p0 $0xF7A, s2;
	p2 =	seq.s32 @!p0 s5, $0x0  }
0x1f: {  	s9 =	smul.u32 $0xF7A, s1;
	s8 =	simm.s32 @!p0 $0x1BF5;
	p2 =	por !p2, p0  }
0x20: {  	[sflag:s8] =	ssyncset.s32 @!p0 $0xFFFFF086;
	s6 =	sadd.s32 @!p0 s3, s7;
	s7 =	simm.s32 @!p0 $0x108  }
0x21: {  	s3 =	sadd.s32 s3, s9;
	s6 =	sadd.s32 @!p0 $0x88, s6;
	s7 =	simm.s32 @p2 $0x1082  }
0x22: {  	[simem:s7], [sflag:s8] =	dma.local @!p0 [hbm:s6], $0xF7A  }
0x23: {  	s9 =	sor.u32 $0xD0000000, s2;
	s6 =	simm.s32 $0x108;
	_ =	swait.ge @!p0 [sflag:s8], $0x0  }
0x24: {  	s3 =	sadd.s32 $0x88, s3;
	s6 =	simm.s32 @!p1 $0x1082;
	[sflag:s4] =	ssyncset.s32 $0xFFFFF086  }
0x25: {  	[simem:s6], [sflag:s4] =	dma.local [hbm:s3], $0xF7A  }
0x26: {  	[smem:$0x3F8F] =	sst s1;
	(tag) =	ssettag s2;
	_ =	strace s9  }
0x27: {  	s1 =	sld [smem:$0x3F9F]  }
0x28: {  	s2 =	sld [smem:$0x3FA0]  }
0x29: {  	s4 =	sld [smem:$0x3FA2]  }
0x2a: {  	p0 =	seq.s32 s5, $0x0;
	s5 =	sld [smem:$0x3FA3]  }
0x2b: {  	s6 =	sld [smem:$0x3FA4]  }
0x2c: {  	s7 =	sld [smem:$0x3FA5]  }
0x2d: {  	s3 =	simm.s32 $0x108;
	s8 =	sld [smem:$0x3FA6]  }
0x2e: {  	s3 =	simm.s32 @!p0 $0x1082;
	s9 =	sld [smem:$0x3FA7]  }
0x2f: {  	lr =	sadd.s32 s0, s3;
	s0 =	sld [smem:$0x3F9E]  }
0x30: {  	s3 =	sld [smem:$0x3FA1]  }
0x31: {  	[smem:$0x3FAA] =	sst s10  }
0x32: {  	s10 =	sld [smem:$0x3FA8];
	_ =	sdelay $0x3  }
0x33: {  	p0 =	seq.s32 s10, $0x1;
	s10 =	sld [smem:$0x3FAA];
	_ =	sdelay $0x3  }
0x34: {  	[smem:$0x3FAA] =	sst s10  }
0x35: {  	s10 =	sld [smem:$0x3FA9];
	_ =	sdelay $0x3  }
0x36: {  	p1 =	seq.s32 s10, $0x1;
	s10 =	sld [smem:$0x3FAA];
	_ =	sdelay $0x3  }
0x37: {  	[smem:$0x3FAA] =	sst s10  }
0x38: {  	s10 =	sld [smem:$0x3FAB]  }
0x39: {  	_ = 	snop;
	(pc) =	sbr.ind lr, $3  }
0x3a: {  	_ = 	snop  }
0x3b: {  	_ = 	snop  }
0x3c: {  	p2 =	seq.s32 s10, $0x1;
	s10 =	sld [smem:$0x3FAA]  }
0x3d: {  	_ =	shalt  }
0x3e: {  	_ =	shalt  }
0x3f: {  	_ =	shalt  }
0x40: {  	_ =	shalt  }
0x41: {  	_ =	shalt  }
0x42: {  	_ =	shalt  }
0x43: {  	_ =	shalt  }
0x44: {  	_ =	shalt  }
0x45: {  	_ =	shalt  }
0x46: {  	_ =	shalt  }
0x47: {  	_ =	shalt  }
0x48: {  	_ =	shalt  }
0x49: {  	_ =	shalt  }
0x4a: {  	_ =	shalt  }
0x4b: {  	_ =	shalt  }
0x4c: {  	_ =	shalt  }
0x4d: {  	_ =	shalt  }
0x4e: {  	_ =	shalt  }
0x4f: {  	_ =	shalt  }
0x50: {  	_ =	shalt  }
0x51: {  	_ =	shalt  }
0x52: {  	_ =	shalt  }
0x53: {  	_ =	shalt  }
0x54: {  	_ =	shalt  }
0x55: {  	_ =	shalt  }
0x56: {  	_ =	shalt  }
0x57: {  	_ =	shalt  }
0x58: {  	_ =	shalt  }
0x59: {  	_ =	shalt  }
0x5a: {  	_ =	shalt  }
0x5b: {  	_ =	shalt  }
0x5c: {  	_ =	shalt  }
0x5d: {  	_ =	shalt  }
0x5e: {  	_ =	shalt  }
0x5f: {  	_ =	shalt  }
0x60: {  	_ =	shalt  }
0x61: {  	_ =	shalt  }
0x62: {  	_ =	shalt  }
0x63: {  	_ =	shalt  }
0x64: {  	_ =	shalt  }
0x65: {  	_ =	shalt  }
0x66: {  	_ =	shalt  }
0x67: {  	_ =	shalt  }
0x68: {  	_ =	shalt  }
0x69: {  	_ =	shalt  }
0x6a: {  	_ =	shalt  }
0x6b: {  	_ =	shalt  }
0x6c: {  	_ =	shalt  }
0x6d: {  	_ =	shalt  }
0x6e: {  	_ =	shalt  }
0x6f: {  	_ =	shalt  }
0x70: {  	_ =	shalt  }
0x71: {  	_ =	shalt  }
0x72: {  	_ =	shalt  }
0x73: {  	_ =	shalt  }
0x74: {  	_ =	shalt  }
0x75: {  	_ =	shalt  }
0x76: {  	_ =	shalt  }
0x77: {  	_ =	shalt  }
0x78: {  	_ =	shalt  }
0x79: {  	_ =	shalt  }
0x7a: {  	_ =	shalt  }
0x7b: {  	_ =	shalt  }
0x7c: {  	_ =	shalt  }
0x7d: {  	_ =	shalt  }
0x7e: {  	_ =	shalt  }
0x7f: {  	_ =	shalt  }
0x80: {  	_ =	shalt  }
0x81: {  	_ =	shalt  }
0x82: {  	_ =	shalt  }
0x83: {  	_ =	shalt  }
0x84: {  	_ =	shalt  }
0x85: {  	_ =	shalt  }
0x86: {  	_ =	shalt  }
0x87: {  	_ =	shalt  }
.Lfunc_end0:
.L_simem_size_0:
called_computation_lowered:
.L_overlay_start_0:
0x88: {  	s2 =	sld [smem:$0x3FD9]  }
0x89: {  	s3 =	sld [smem:$0x3FFE];
	_ =	sdelay $0x1  }
0x8a: {  	s1 =	srdreg.scid  }
0x8b: {  	s0 =	sand.u32 $0x1, s1  }
0x8c: {  	s17 =	sshll.u32 s0, $0xA;
	s2 =	sadd.s32 s3, s2  }
0x8d: {  	s2 =	sadd.s32 s2, s17  }
0x8e: {  	[smem:$0x3FB6] =	sst s2  }
0x8f: {  	_ = 	snop  }
0x90: {  	s2 =	sld [smem:$0x3FD0];
	(tm) =	ssettm $0x1  }
0x91: {  	s18 =	sld [smem:$0x3FFB];
	_ =	sdelay $0x3  }
0x92: {  	_ =	strace s18  }
0x93: {  	s3 =	sld [smem:$0x3FFC];
	_ =	sdelay $0x3  }
0x94: {  	_ =	strace s3  }
0x95: {  	s3 =	sld [smem:$0x3FFD];
	_ =	sdelay $0x3  }
0x96: {  	_ =	strace s3  }
0x97: {  	_ =	strace $0x8FFFFFFF  }
0x98: {  	s19 =	sld [smem:$0x3FDB];
	_ =	sdelay $0x1  }
0x99: {  	s4 =	simm.s32 $_scs_section_size  }
0x9a: {  	s5 =	simm.s32 $_size__tile_overlayer_lowered;
	s6 =	simm.s32 $_tile_overlayer_lowered  }
0x9b: {  	s22 =	simm.s32 $0x1BFF;
	s21 =	sshll.u32 s6, $0x1;
	s3 =	sadd.s32 s4, s19  }
0x9c: {  	s7 =	simm.s32 $0x0;
	s20 =	sshll.u32 s5, $0x1;
	s5 =	sadd.s32 s21, s3  }
0x9d: {  	[timem:s7], [sflag:s22] =	dma.local [hbm:s5], s20  }
0x9e: {  	_ =	swait.ge [sflag:s22], s20  }
0x9f: {  	s4 =	ssub.s32 $0x0, s20;
	[sflag:s22] =	ssyncset.done $0x0  }
0xa0: {  	[sflag:s22] =	ssyncadd.s32 s4;
	_ =	sdelay $0x1  }
0xa1: {  	s23 =	simm.s32 $0x1B8B  }
0xa2: {  	_ =	swait.ge [sflag:s23], $0x1  }
0xa3: {  	[sflag:s23] =	ssyncset.done $0x0  }
0xa4: {  	s25 =	simm.s32 $0x1B8E;
	s24 =	sld [smem:$0x3FFE];
	[sflag:s23] =	ssyncadd.s32 $0xFFFFFFFF  }
0xa5: {  	s26 =	simm.s32 $execute0_lowered;
	[smem:$0x3FD2] =	sst s25  }
0xa6: {  	s5 =	sshll.u32 s26, $0x1;
	_ =	strace $0x80000046;
	[dreg:$0x1] =	wrdreg $0xFFFFFFFF  }
0xa7: {  	s28 =	simm.s32 $_size_execute0_lowered;
	s3 =	sadd.s32 s3, s5;
	[dreg:$0x0] =	wrdreg $0x0  }
0xa8: {  	s5 =	sshll.u32 s28, $0x1;
	[dreg:$0x2] =	wrdreg s3  }
0xa9: {  	[dreg:$0x3] =	wrdreg s5  }
0xaa: {  	[dreg:$0x4] =	wrdreg $0xC0  }
0xab: {  	_ =	task [dreg:s7], $0x5FFFF  }
0xac: {  	[dreg:$0x1] =	wrdreg $0xFFFFFFFF  }
0xad: {  	[dreg:$0x0] =	wrdreg $0x60  }
0xae: {  	[dreg:$0x2] =	wrdreg s24  }
0xaf: {  	[dreg:$0x3] =	wrdreg s2  }
0xb0: {  	[dreg:$0x4] =	wrdreg $0x198200  }
0xb1: {  	[dreg:$0x5] =	wrdreg $0x170200  }
0xb2: {  	[dreg:$0x6] =	wrdreg $0x9  }
0xb3: {  	_ =	task.clear_ibuf [dreg:s7], $0x7FFFF;
	_ =	strace $0x90000046  }
0xb4: {  	s29 =	simm.s32 $0x9;
	_ =	strace $0x80000048  }
0xb5: {  	_ =	swait.ge [sflag:s29], $0x1  }
0xb6: {  	[sflag:s29] =	ssyncadd.s32 $0xFFFFFFFF  }
0xb7: {  	_ =	strace $0x90000048  }
0xb8: {  	_ =	sfence  }
0xb9: {  	s30 =	sld [smem:$0x0];
	_ =	sdelay $0x2  }
0xba: {  	s31 =	sshll.u32 s1, $0xD;
	s1 =	sshrl.u32 s1, $0x2  }
0xbb: {  	s3 =	sand.u32 $0x4000, s31;
	s1 =	sadd.s32 s1, s30  }
0xbc: {  	s0 =	sor.u32 s3, s0;
	s1 =	sshll.u32 s1, $0x11  }
0xbd: {  	s0 =	sor.u32 s1, s0  }
0xbe: {  	s0 =	sadd.s32 $0x8F2B, s0  }
0xbf: {  	[sflag:s0] =	ssyncadd.remote.s32 $0x1  }
0xc0: {  	_ =	sfence.sel $0xFFFF  }
0xc1: {  	[dreg:$0x0] =	wrdreg $0xFFFFFFFF;
	(pc) =	sbr.abs _section_cstart, $3  }
0xc2: {  	[dreg:$0x1] =	wrdreg $0xFFFFFFFF  }
0xc3: {  	_ =	task.clear_ibuf [dreg:s7], $0x2FFFF;
	_ =	strace $0x9FFFFFFF  }
0xc4: {  	(tm) =	ssettm $0x7FFFFFFF  }
0xc5: {  	_ =	shalt  }
tec
execute0_lowered:
.L_overlay_start_1:
0x0: {  	(tag) =	ssettag $0x1  }
0x1: {  	s0 =	rddreg [dreg:$0x0]  }
0x2: {  	s2 =	rddreg [dreg:$0x1]  }
0x3: {  	s1 =	rddreg [dreg:$0x2]  }
0x4: {  	s4 =	srdreg.scid;
	s3 =	rddreg [dreg:$0x3]  }
0x5: {  	s14 =	stileid.u32;
	s17 =	simm.s32 $0x5;
	s18 =	simm.s32 $0x1  }
0x6: {  	s19 =	simm.s32 $0x2;
	s20 =	simm.s32 $0x7D0;
	s21 =	simm.s32 $0x4E20  }
0x7: {  	s22 =	simm.s32 $0xCB20;
	s23 =	simm.s32 $0x3;
	s28 =	simm.s32 $0x1770  }
0x8: {  	s29 =	simm.s32 $0x36B0;
	s30 =	simm.s32 $0x1F40;
	s31 =	simm.s32 $0x3E80  }
0x9: {  	s6 =	sand.u32 $0x1, s4;
	s4 =	simm.s32 $0x0;
	s9 =	smul.u32 $0x2800, s14  }
0xa: {  	s13 =	sadd.s32 $0x25800, s1;
	p0 =	seq.s32 s14, $0xF;
	s5 =	sshll.u32 s6, $0x4  }
0xb: {  	[smem:$0x7FF] =	sst s4;
	s8 =	ssub.s32 $0x2, s6;
	s12 =	smul.u32 $0x28000, s6  }
0xc: {  	s13 =	sshrl.u32 @p0 s13, $0x3;
	s5 =	sor.u32 s14, s5;
	_ =	strace $0x80000047  }
0xd: {  	s7 =	sshrl.u32 s9, $0x3;
	s25 =	sshrl.u32 s8, $0x1;
	s15 =	sadd.s32 s9, s1  }
0xe: {  	s5 =	smul.u32 $0x4E2, s5;
	s7 =	sadd.s32 s7, s0;
	s11 =	ssub.s32 s8, s25  }
0xf: {  	s8 =	sadd.s32 $0x7300, s0;
	s26 =	sadd.s32 s9, s12;
	s9 =	sadd.s32 s9, s3  }
0x10: {  	s12 =	simm.s32 $0x2710;
	s15 =	sshrl.u32 @!p0 s15, $0x3;
	s25 =	simm.s32 $0x4  }
0x11: {  	s7 =	sadd.s32 $0x2800, s7;
	s11 =	smax.u32 s11, $0x1;
	s10 =	sadd.s32 s5, s0  }
0x12: {  	s0 =	sshrl.u32 s26, $0x3;
	s26 =	simm.s32 $0x2EE0;
	s5 =	sadd.s32 $0x11600, s10  }
0x13: {  	s6 =	sadd.s32 $0x7800, s10;
	s10 =	sadd.s32 s2, s0;
	s0 =	sshll.u32 @!p0 s14, $0x6  }
0x14: {  	v0 =	vimm.f32 $0.0e+00;
	s2 =	simm.s32 $0x0;
	s14 =	sor.u32 @!p0 $0x1C05, s0;
	s0 =	simm.s32 $0x4650  }
.LBB2_1:
0x15: {  	[tilespmem:s4], [sflag:$0x1] =	stream.linear.gather [hbm4b:s5+s4], $0x2710, $0x38;
	[tilespmem:$0x1BF30] =	vst v63  }
0x16: {  	s16 =	simm.s32 @p0 $0x1FC5  }
0x17: {  	[tilespmem:s12], [sflag:$0x2] =	stream.linear.gather [hbm4b:s6+s4], $0x2710, $0x38;
	[tilespmem:$0x1BF30] =	vst v63  }
0x18: {  	[spmem:s13], [sflag:s16] =	dma.local @p0 [hbm:s8], $0x320  }
0x19: {  	s16 =	simm.s32 @p0 $0x5  }
0x1a: {  	_ =	swait.ge @p0 [sflag:s16], $0x320  }
0x1b: {  	[sflag:s16] =	ssyncset.done @p0 $0x0  }
0x1c: {  	[sflag:s16] =	ssyncadd.s32 @p0 $0xFFFFFCE0;
	s16 =	simm.s32 @!p0 $0x5  }
0x1d: {  	[spmem:s15], [sflag:s14] =	dma.local @!p0 [hbm:s7], $0x500  }
0x1e: {  	_ =	swait.ge @!p0 [sflag:s16], $0x500  }
0x1f: {  	[sflag:s16] =	ssyncset.done @!p0 $0x0  }
0x20: {  	s24 =	simm.s32 $0x0;
	[sflag:s16] =	ssyncadd.s32 @!p0 $0xFFFFFB00;
	s16 =	simm.s32 $0x40  }
.LBB2_2:
0x21: {  	p1 =	sne.s32 s16, $0x9FC0;
	[tilespmem:s24+$0x14820] =	vst v0;
	s24 =	smov.u32 s16;
	s16 =	sadd.s32 $0x40, s16  }
.Ltmp0:
0x22: {  	(pc) =	sbr.rel @p1 .LBB2_2-.Ltmp0, $2  }
0x23: {  	_ =	sdelay $0x2  }
0x24: {  	s24 =	sshra.s32 s24, $0x2  }
0x25: {  	[tilespmem:s24+$0x14820] =	vst v0;
	s16 =	simm.s32 $0x14820  }
0x26: {  	[spmem:s9] =	stream.linear.scatter [tilespmem:s16], [sflag:$0x5], $0x2800, $0x38;
	[tilespmem:$0x1BF30] =	vst v63  }
0x27: {  	_ =	swait.ge [sflag:s17], $0x2800  }
0x28: {  	[sflag:s17] =	ssyncset.done $0x0  }
0x29: {  	[sflag:s17] =	ssyncadd.s32 $0xFFFFD800  }
0x2a: {  	_ =	swait.ge [sflag:s18], $0x2710  }
0x2b: {  	[sflag:s18] =	ssyncset.done $0x0  }
0x2c: {  	[sflag:s18] =	ssyncadd.s32 $0xFFFFD8F0  }
0x2d: {  	_ =	swait.ge [sflag:s19], $0x2710  }
0x2e: {  	[sflag:s19] =	ssyncset.done $0x0  }
0x2f: {  	[sflag:s19] =	ssyncadd.s32 $0xFFFFD8F0  }
0x30: {  	[bflag:$0x0] =	sbarrier.arrive $0xFFFF  }
0x31: {  	[tilespmem:s21], [sflag:$0x3] =	stream.indirect.gather [spmem:s1], $0x10, s4, s20, $0xb8;
	[tilespmem:$0x1BF30] =	vst v63  }
0x32: {  	_ = 	snop  }
0x33: {  	[tilespmem:s22], [sflag:$0x4] =	stream.indirect.gather [spmem:s1], $0x10, s20, s20, $0xb8;
	[tilespmem:$0x1BF30] =	vst v63  }
0x34: {  	_ =	swait.ge [sflag:s23], $0x7D00  }
0x35: {  	[sflag:s23] =	ssyncset.done $0x0  }
0x36: {  	[sflag:s23] =	ssyncadd.s32 $0xFFFF8300  }
0x37: {  	[spmem:s3] =	stream.indirect.scatter.add.f32 [tilespmem:s21], [sflag:$0x5], $0x10, s12, s20, $0xb8;
	[tilespmem:$0x1BF30] =	vst v63  }
0x38: {  	_ =	swait.ge [sflag:s17], $0x7D00  }
0x39: {  	[sflag:s17] =	ssyncset.done $0x0  }
0x3a: {  	s24 =	simm.s32 $0xFA0;
	[sflag:s17] =	ssyncadd.s32 $0xFFFF8300  }
0x3b: {  	[tilespmem:s21], [sflag:$0x3] =	stream.indirect.gather [spmem:s1], $0x10, s24, s20, $0xb8;
	[tilespmem:$0x1BF30] =	vst v63  }
0x3c: {  	_ =	swait.ge [sflag:s25], $0x7D00  }
0x3d: {  	[sflag:s25] =	ssyncset.done $0x0  }
0x3e: {  	[sflag:s25] =	ssyncadd.s32 $0xFFFF8300  }
0x3f: {  	[spmem:s3] =	stream.indirect.scatter.add.f32 [tilespmem:s22], [sflag:$0x5], $0x10, s26, s20, $0xb8;
	[tilespmem:$0x1BF30] =	vst v63  }
0x40: {  	_ =	swait.ge [sflag:s17], $0x7D00  }
0x41: {  	[sflag:s17] =	ssyncset.done $0x0  }
0x42: {  	[sflag:s17] =	ssyncadd.s32 $0xFFFF8300  }
0x43: {  	[tilespmem:s22], [sflag:$0x4] =	stream.indirect.gather [spmem:s1], $0x10, s28, s20, $0xb8;
	[tilespmem:$0x1BF30] =	vst v63  }
0x44: {  	_ =	swait.ge [sflag:s23], $0x7D00  }
0x45: {  	[sflag:s23] =	ssyncset.done $0x0  }
0x46: {  	[sflag:s23] =	ssyncadd.s32 $0xFFFF8300  }
0x47: {  	[spmem:s3] =	stream.indirect.scatter.add.f32 [tilespmem:s21], [sflag:$0x5], $0x10, s29, s20, $0xb8;
	[tilespmem:$0x1BF30] =	vst v63  }
0x48: {  	_ =	swait.ge [sflag:s17], $0x7D00  }
0x49: {  	[sflag:s17] =	ssyncset.done $0x0  }
0x4a: {  	[sflag:s17] =	ssyncadd.s32 $0xFFFF8300  }
0x4b: {  	[tilespmem:s21], [sflag:$0x3] =	stream.indirect.gather [spmem:s1], $0x10, s30, s20, $0xb8;
	[tilespmem:$0x1BF30] =	vst v63  }
0x4c: {  	_ =	swait.ge [sflag:s25], $0x7D00  }
0x4d: {  	[sflag:s25] =	ssyncset.done $0x0  }
0x4e: {  	[sflag:s25] =	ssyncadd.s32 $0xFFFF8300  }
0x4f: {  	[spmem:s3] =	stream.indirect.scatter.add.f32 [tilespmem:s22], [sflag:$0x5], $0x10, s31, s20, $0xb8;
	[tilespmem:$0x1BF30] =	vst v63  }
0x50: {  	_ =	swait.ge [sflag:s17], $0x7D00  }
0x51: {  	[sflag:s17] =	ssyncset.done $0x0  }
0x52: {  	[sflag:s17] =	ssyncadd.s32 $0xFFFF8300  }
0x53: {  	_ =	swait.ge [sflag:s23], $0x7D00  }
0x54: {  	[sflag:s23] =	ssyncset.done $0x0  }
0x55: {  	[sflag:s23] =	ssyncadd.s32 $0xFFFF8300  }
0x56: {  	[spmem:s3] =	stream.indirect.scatter.add.f32 [tilespmem:s21], [sflag:$0x5], $0x10, s0, s20, $0xb8;
	[tilespmem:$0x1BF30] =	vst v63  }
0x57: {  	s2 =	sadd.s32 $0x1, s2;
	_ =	swait.ge [sflag:s17], $0x7D00  }
0x58: {  	p1 =	sne.s32 s2, s11;
	s24 =	stileid.u32;
	[sflag:s17] =	ssyncset.done $0x0  }
0x59: {  	s16 =	sshll.u32 s24, $0x6;
	s24 =	sshrl.u32 s9, $0x3;
	[sflag:s17] =	ssyncadd.s32 $0xFFFF8300  }
.Ltmp1:
0x5a: {  	s16 =	sor.u32 $0x1C05, s16;
	[bflag:$0x0] =	sbarrier.arrive $0xFFFF;
	(pc) =	sbr.rel @p1 .LBB2_1-.Ltmp1, $4  }
0x5b: {  	[hbm:s10], [sflag:s16] =	dma.local [spmem:s24], $0x500  }
0x5c: {  	_ =	swait.ge [sflag:s17], $0x500  }
0x5d: {  	[sflag:s17] =	ssyncset.done $0x0  }
0x5e: {  	[sflag:s17] =	ssyncadd.s32 $0xFFFFFB00  }
0x5f: {  	_ =	sfence.sel $0x180000  }
0x60: {  	[bflag:$0x0] =	sbarrier.arrive $0xFFFF  }
0x61: {  	_ =	strace $0x90000047  }
0x62: {  	s0 =	stileid.u32;
	[bflag:$0x2] =	sbarrier.arrive $0xFFFF  }
0x63: {  	p0 =	sne.s32 s0, $0x0;
	s0 =	rddreg [dreg:$0x4]  }
0x64: {  	s0 =	sadd.s32 @!p0 $0x100000, s0  }
0x65: {  	[sflag:s0] =	ssyncadd.tile.s32 @!p0 $0x1;
	_ =	shalt  }
.Lfunc_end2:
_tile_overlayer_lowered:
.L_overlay_start_2:
0x66: {  	(tag) =	ssettag $0x2  }
0x67: {  	s0 =	rddreg [dreg:$0x0];
	s2 =	stileid.u32  }
0x68: {  	s1 =	rddreg [dreg:$0x1];
	p0 =	sne.s32 s2, $0x0  }
0x69: {  	s3 =	rddreg [dreg:$0x2];
	[bflag:$0x3] =	sbarrier.arrive $0xFFFF;
	s2 =	simm.s32 @!p0 $0x1C05  }
0x6a: {  	[timem:s3], [sflag:s2] =	dma.local @!p0 [hbm:s0], s1  }
0x6b: {  	s0 =	simm.s32 @!p0 $0x5  }
0x6c: {  	_ =	swait.ge @!p0 [sflag:s0], s1  }
0x6d: {  	s1 =	ssub.s32 @!p0 $0x0, s1;
	[sflag:s0] =	ssyncset.done @!p0 $0x0  }
0x6e: {  	[sflag:s0] =	ssyncadd.s32 @!p0 s1  }
0x6f: {  	[bflag:$0x3] =	sbarrier.arrive $0xFFFF  }
0x70: {  	_ =	shalt  }

</sc_bundles>
